<compile_context>
chip_gen: v7x
topology: tpu7x:2x2x1
jax: 0.10.2.dev20260603
libtpu: 0.0.44.dev20260713+nightly
codegen_flags: <defaults>
</compile_context>

<pallas_src>
import functools

import jax
import jax.numpy as jnp
from jax import lax
from jax.experimental import pallas as pl
from jax.experimental.pallas import tpu as pltpu
from jax.experimental.pallas import tpu_sc as plsc

V = 100000
D = 64
DP = 128
B = 16384
H = 50
N = B * H
DC = 16
DO = D + 2 * DC
NCAL = 260
NCOS = 20

NC, NS = 2, 16
NW = NC * NS
PER_W = N // NW
G = 128
K = 2
C = K * G
N_CHUNKS = PER_W // C


def _combine_tables(symbol_embed, layer_embeds, layer):
    rows_blk = 1000
    grid = V // rows_blk

    def body(layer_ref, sym_ref, lay_ref, out_ref):
        del layer_ref
        s = sym_ref[...] + lay_ref[0]
        out_ref[...] = jnp.concatenate(
            [s, jnp.zeros((rows_blk, DP - D), jnp.float32)], axis=-1)

    return pl.pallas_call(
        body,
        grid_spec=pltpu.PrefetchScalarGridSpec(
            num_scalar_prefetch=1,
            grid=(grid,),
            in_specs=[
                pl.BlockSpec((rows_blk, D), lambda i, layer_ref: (i, 0)),
                pl.BlockSpec((1, rows_blk, D),
                             lambda i, layer_ref: (layer_ref[0], i, 0)),
            ],
            out_specs=pl.BlockSpec((rows_blk, DP), lambda i, layer_ref: (i, 0)),
        ),
        out_shape=jax.ShapeDtypeStruct((V, DP), jnp.float32),
    )(jnp.asarray(layer, jnp.int32).reshape(1), symbol_embed, layer_embeds)


def _sc_lookup(comb, cal_flat, cos_flat, sids, cal, cos):
    mesh = plsc.VectorSubcoreMesh(core_axis_name="c", subcore_axis_name="s")

    @functools.partial(
        pl.kernel,
        out_type=jax.ShapeDtypeStruct((N, DO), jnp.float32),
        mesh=mesh,
        scratch_types=[
            pltpu.VMEM((C,), jnp.int32),
            pltpu.VMEM((C,), jnp.int32),
            pltpu.VMEM((C,), jnp.int32),
            pltpu.VMEM((C, DP), jnp.float32),
            pltpu.VMEM((C, DO), jnp.float32),
            pltpu.VMEM((NCAL * DC,), jnp.float32),
            pltpu.VMEM((NCOS * DC,), jnp.float32),
            pltpu.SemaphoreType.DMA,
        ],
        compiler_params=pltpu.CompilerParams(needs_layout_passes=False),
    )
    def kern(comb_hbm, calt_hbm, cost_hbm, sid_hbm, cal_hbm, cos_hbm,
             out_hbm, idx_s, idx_c, idx_k, rows, obuf, calv, cosv, sem):
        wid = lax.axis_index("s") * NC + lax.axis_index("c")
        pltpu.sync_copy(calt_hbm, calv)
        pltpu.sync_copy(cost_hbm, cosv)
        iota16 = lax.iota(jnp.int32, 16)

        def chunk(i, carry):
            base = wid * PER_W + i * C
            pltpu.sync_copy(sid_hbm.at[pl.ds(base, C)], idx_s)
            pltpu.sync_copy(cal_hbm.at[pl.ds(base, C)], idx_c)
            pltpu.sync_copy(cos_hbm.at[pl.ds(base, C)], idx_k)
            copies = []
            for j in range(K):
                copies.append(pltpu.async_copy(
                    comb_hbm.at[idx_s.at[pl.ds(j * G, G)]],
                    rows.at[pl.ds(j * G, G)], sem))
            for cp in copies:
                cp.wait()

            def group(g, carry2):
                rb = g * 16
                vc16 = idx_c[pl.ds(rb, 16)] * DC
                vk16 = idx_k[pl.ds(rb, 16)] * DC
                rowv = rb + iota16
                for c in range(DC):
                    w = plsc.load_gather(calv, [vc16 + c])
                    plsc.store_scatter(
                        obuf, [rowv, jnp.full((16,), D + c, jnp.int32)], w)
                    w = plsc.load_gather(cosv, [vk16 + c])
                    plsc.store_scatter(
                        obuf, [rowv, jnp.full((16,), D + DC + c, jnp.int32)], w)
                for l in range(16):
                    for c in range(D // 16):
                        obuf[rb + l, pl.ds(c * 16, 16)] = (
                            rows[rb + l, pl.ds(c * 16, 16)])
                return carry2

            lax.fori_loop(0, C // 16, group, 0)
            pltpu.sync_copy(obuf, out_hbm.at[pl.ds(base, C)])
            return carry

        lax.fori_loop(0, N_CHUNKS, chunk, 0)

    return kern(comb, cal_flat, cos_flat, sids, cal, cos)


def kernel(symbol_ids, layer, calendar_pos, cosmic_assoc, symbol_embed,
           layer_embeds, calendar_embed, cosmic_embed):
    comb = _combine_tables(symbol_embed, layer_embeds, layer)
    sids = symbol_ids.astype(jnp.int32).reshape(N)
    cal = calendar_pos.astype(jnp.int32).reshape(N)
    cos = cosmic_assoc.astype(jnp.int32).reshape(N)
    out = _sc_lookup(comb, calendar_embed.reshape(NCAL * DC),
                     cosmic_embed.reshape(NCOS * DC), sids, cal, cos)
    return out.reshape(B, H, DO)

# --- scband reference (transcript-rebuilt; emitter-appended) ---
"""Pipeline reference for scband-symbol-embedding-12463995093740 (READ-ONLY COPY).

The authoritative reference and input builder live on the scoring server;
editing this copy changes nothing except your own understanding.
"""

import jax, jax.numpy as jnp
import numpy as np

V = 100000
D = 64
NUM_LAYERS = 3
B = 16384
H = 50

def setup_inputs(seed: int = 0) -> dict:
    key = jax.random.key(seed)
    ks = jax.random.split(key, 8)
    symbol_ids = jax.random.randint(ks[0], (B, H), 0, V)
    calendar_pos = jax.random.randint(ks[1], (B, H), 0, 260)
    cosmic_assoc = jax.random.randint(ks[2], (B, H), 0, 20)
    symbol_embed = jax.random.normal(ks[3], (V, D), dtype=jnp.float32) * 0.02
    layer_embeds = jax.random.normal(ks[4], (NUM_LAYERS, V, D), dtype=jnp.float32) * 0.02
    calendar_embed = jax.random.normal(ks[5], (260, D // 4), dtype=jnp.float32) * 0.02
    cosmic_embed = jax.random.normal(ks[6], (20, D // 4), dtype=jnp.float32) * 0.02
    return {
        "symbol_ids": symbol_ids,
        "layer": 1,
        "calendar_pos": calendar_pos,
        "cosmic_assoc": cosmic_assoc,
        "symbol_embed": symbol_embed,
        "layer_embeds": layer_embeds,
        "calendar_embed": calendar_embed,
        "cosmic_embed": cosmic_embed,
    }

def reference(symbol_ids, layer, calendar_pos, cosmic_assoc, symbol_embed, layer_embeds, calendar_embed, cosmic_embed):
    # embed = symbol_embed(symbol_ids) + layer_embeds[layer](symbol_ids)
    embed = jnp.take(symbol_embed, symbol_ids, axis=0) + jnp.take(layer_embeds[layer], symbol_ids, axis=0)
    # calendar branch
    cal_embed = jnp.take(calendar_embed, calendar_pos, axis=0)
    embed = jnp.concatenate([embed, cal_embed], axis=-1)
    # cosmic branch
    cos_embed = jnp.take(cosmic_embed, cosmic_assoc, axis=0)
    embed = jnp.concatenate([embed, cos_embed], axis=-1)
    return embed

if __name__ == "__main__":
    import jax
    _d = setup_inputs()
    print(jax.jit(kernel)(*tuple(_d.values())))

</pallas_src>

<mosaic_0001>
#map = affine_map<(d0, d1) -> (0, 0)>
#map1 = affine_map<(d0, d1) -> (0)>
module attributes {stable_mosaic.version = 14 : i64} {
  func.func @kern(%arg0: i32, %arg1: i32, %arg2: memref<100000x128xf32, #tpu.memory_space<hbm>>, %arg3: memref<4160xf32, #tpu.memory_space<hbm>>, %arg4: memref<320xf32, #tpu.memory_space<hbm>>, %arg5: memref<819200xi32, #tpu.memory_space<hbm>>, %arg6: memref<819200xi32, #tpu.memory_space<hbm>>, %arg7: memref<819200xi32, #tpu.memory_space<hbm>>, %arg8: memref<819200x96xf32, #tpu.memory_space<hbm>>, %arg9: memref<256xi32, #tpu.memory_space<vmem>>, %arg10: memref<256xi32, #tpu.memory_space<vmem>>, %arg11: memref<256xi32, #tpu.memory_space<vmem>>, %arg12: memref<256x128xf32, #tpu.memory_space<vmem>>, %arg13: memref<256x96xf32, #tpu.memory_space<vmem>>, %arg14: memref<4160xf32, #tpu.memory_space<vmem>>, %arg15: memref<320xf32, #tpu.memory_space<vmem>>, %arg16: memref<!tpu.dma_semaphore, #tpu.memory_space<semaphore_mem>>) attributes {dimension_semantics = [#tpu.dimension_semantics<core_parallel>, #tpu.dimension_semantics<subcore_parallel>], iteration_bounds = array<i64: 2, 16>, scalar_prefetch = 0 : i64, scratch_operands = 8 : i64, tpu.core_type = #tpu.core_type<sc_vector_subcore>, window_params = [{transform_indices = #map}, {transform_indices = #map1}, {transform_indices = #map1}, {transform_indices = #map1}, {transform_indices = #map1}, {transform_indices = #map1}, {transform_indices = #map}]} {
    %mul3A = arith.constant 2 : i32
    %mul3A_0 = arith.muli %arg1, %mul3A : i32
    %add3A = arith.addi %mul3A_0, %arg0 : i32
    "tpu.region"() ({
      %run_scoped3A = tpu.sem_alloc : memref<!tpu.dma_semaphore, #tpu.memory_space<semaphore_mem>>
      tpu.enqueue_dma source(%arg3 : memref<4160xf32, #tpu.memory_space<hbm>>) target(%arg14 : memref<4160xf32, #tpu.memory_space<vmem>>) target_semaphore(%run_scoped3A : memref<!tpu.dma_semaphore, #tpu.memory_space<semaphore_mem>>)
      tpu.wait_dma2 semaphore(%run_scoped3A : memref<!tpu.dma_semaphore, #tpu.memory_space<semaphore_mem>>) src(%arg3 : memref<4160xf32, #tpu.memory_space<hbm>>) dst(%arg14 : memref<4160xf32, #tpu.memory_space<vmem>>)
      tpu.yield
    }) : () -> ()
    "tpu.region"() ({
      %run_scoped3A = tpu.sem_alloc : memref<!tpu.dma_semaphore, #tpu.memory_space<semaphore_mem>>
      tpu.enqueue_dma source(%arg4 : memref<320xf32, #tpu.memory_space<hbm>>) target(%arg15 : memref<320xf32, #tpu.memory_space<vmem>>) target_semaphore(%run_scoped3A : memref<!tpu.dma_semaphore, #tpu.memory_space<semaphore_mem>>)
      tpu.wait_dma2 semaphore(%run_scoped3A : memref<!tpu.dma_semaphore, #tpu.memory_space<semaphore_mem>>) src(%arg4 : memref<320xf32, #tpu.memory_space<hbm>>) dst(%arg15 : memref<320xf32, #tpu.memory_space<vmem>>)
      tpu.yield
    }) : () -> ()
    %iota3A = tpu.iota {dimensions = array<i32: 0>} : vector<16xi32>
    %scan3A = arith.constant 0 : i32
    %scan3A_1 = arith.constant 0 : i32
    %scan3A_2 = arith.constant 100 : i32
    %scan3A_3 = arith.addi %scan3A_1, %scan3A_2 : i32
    %scan3A_4 = arith.constant 1 : i32
    scf.for %scan3A_6 = %scan3A_1 to %scan3A_3 step %scan3A_4  : i32 {
      %mul3A_7 = arith.constant 25600 : i32
      %mul3A_8 = arith.muli %add3A, %mul3A_7 : i32
      %mul3A_9 = arith.constant 256 : i32
      %mul3A_10 = arith.muli %scan3A_6, %mul3A_9 : i32
      %add3A_11 = arith.addi %mul3A_8, %mul3A_10 : i32
      "tpu.region"() ({
        %run_scoped3A = tpu.sem_alloc : memref<!tpu.dma_semaphore, #tpu.memory_space<semaphore_mem>>
        %dma_start3A_48 = tpu.memref_slice %arg5[%add3A_11] : memref<819200xi32, #tpu.memory_space<hbm>> -> memref<256xi32, #tpu.memory_space<hbm>>
        %dma_start3A_49 = tpu.memref_slice %arg5[%add3A_11] : memref<819200xi32, #tpu.memory_space<hbm>> -> memref<256xi32, #tpu.memory_space<hbm>>
        tpu.enqueue_dma source(%dma_start3A_49 : memref<256xi32, #tpu.memory_space<hbm>>) target(%arg9 : memref<256xi32, #tpu.memory_space<vmem>>) target_semaphore(%run_scoped3A : memref<!tpu.dma_semaphore, #tpu.memory_space<semaphore_mem>>)
        %dma_wait3A_50 = tpu.memref_slice %arg5[%add3A_11] : memref<819200xi32, #tpu.memory_space<hbm>> -> memref<256xi32, #tpu.memory_space<hbm>>
        %dma_wait3A_51 = tpu.memref_slice %arg5[%add3A_11] : memref<819200xi32, #tpu.memory_space<hbm>> -> memref<256xi32, #tpu.memory_space<hbm>>
        tpu.wait_dma2 semaphore(%run_scoped3A : memref<!tpu.dma_semaphore, #tpu.memory_space<semaphore_mem>>) src(%dma_wait3A_51 : memref<256xi32, #tpu.memory_space<hbm>>) dst(%arg9 : memref<256xi32, #tpu.memory_space<vmem>>)
        tpu.yield
      }) : () -> ()
      "tpu.region"() ({
        %run_scoped3A = tpu.sem_alloc : memref<!tpu.dma_semaphore, #tpu.memory_space<semaphore_mem>>
        %dma_start3A_48 = tpu.memref_slice %arg6[%add3A_11] : memref<819200xi32, #tpu.memory_space<hbm>> -> memref<256xi32, #tpu.memory_space<hbm>>
        %dma_start3A_49 = tpu.memref_slice %arg6[%add3A_11] : memref<819200xi32, #tpu.memory_space<hbm>> -> memref<256xi32, #tpu.memory_space<hbm>>
        tpu.enqueue_dma source(%dma_start3A_49 : memref<256xi32, #tpu.memory_space<hbm>>) target(%arg10 : memref<256xi32, #tpu.memory_space<vmem>>) target_semaphore(%run_scoped3A : memref<!tpu.dma_semaphore, #tpu.memory_space<semaphore_mem>>)
        %dma_wait3A_50 = tpu.memref_slice %arg6[%add3A_11] : memref<819200xi32, #tpu.memory_space<hbm>> -> memref<256xi32, #tpu.memory_space<hbm>>
        %dma_wait3A_51 = tpu.memref_slice %arg6[%add3A_11] : memref<819200xi32, #tpu.memory_space<hbm>> -> memref<256xi32, #tpu.memory_space<hbm>>
        tpu.wait_dma2 semaphore(%run_scoped3A : memref<!tpu.dma_semaphore, #tpu.memory_space<semaphore_mem>>) src(%dma_wait3A_51 : memref<256xi32, #tpu.memory_space<hbm>>) dst(%arg10 : memref<256xi32, #tpu.memory_space<vmem>>)
        tpu.yield
      }) : () -> ()
      "tpu.region"() ({
        %run_scoped3A = tpu.sem_alloc : memref<!tpu.dma_semaphore, #tpu.memory_space<semaphore_mem>>
        %dma_start3A_48 = tpu.memref_slice %arg7[%add3A_11] : memref<819200xi32, #tpu.memory_space<hbm>> -> memref<256xi32, #tpu.memory_space<hbm>>
        %dma_start3A_49 = tpu.memref_slice %arg7[%add3A_11] : memref<819200xi32, #tpu.memory_space<hbm>> -> memref<256xi32, #tpu.memory_space<hbm>>
        tpu.enqueue_dma source(%dma_start3A_49 : memref<256xi32, #tpu.memory_space<hbm>>) target(%arg11 : memref<256xi32, #tpu.memory_space<vmem>>) target_semaphore(%run_scoped3A : memref<!tpu.dma_semaphore, #tpu.memory_space<semaphore_mem>>)
        %dma_wait3A_50 = tpu.memref_slice %arg7[%add3A_11] : memref<819200xi32, #tpu.memory_space<hbm>> -> memref<256xi32, #tpu.memory_space<hbm>>
        %dma_wait3A_51 = tpu.memref_slice %arg7[%add3A_11] : memref<819200xi32, #tpu.memory_space<hbm>> -> memref<256xi32, #tpu.memory_space<hbm>>
        tpu.wait_dma2 semaphore(%run_scoped3A : memref<!tpu.dma_semaphore, #tpu.memory_space<semaphore_mem>>) src(%dma_wait3A_51 : memref<256xi32, #tpu.memory_space<hbm>>) dst(%arg11 : memref<256xi32, #tpu.memory_space<vmem>>)
        tpu.yield
      }) : () -> ()
      %dma_start3A = arith.constant 0 : i32
      %dma_start3A_12 = arith.constant 0 : i32
      %dma_start3A_13 = tpu.memref_slice %arg12[%dma_start3A, %dma_start3A_12] : memref<256x128xf32, #tpu.memory_space<vmem>> -> memref<128x128xf32, #tpu.memory_space<vmem>>
      %dma_start3A_14 = arith.constant 0 : i32
      %dma_start3A_15 = tpu.memref_slice %arg9[%dma_start3A_14] : memref<256xi32, #tpu.memory_space<vmem>> -> memref<128xi32, #tpu.memory_space<vmem>>
      %dma_start3A_16 = arith.constant 0 : i32
      %dma_start3A_17 = arith.constant 0 : i32
      %dma_start3A_18 = tpu.memref_slice %arg2[%dma_start3A_16, %dma_start3A_17] : memref<100000x128xf32, #tpu.memory_space<hbm>> -> memref<100000x128xf32, #tpu.memory_space<hbm>>
      tpu.enqueue_indirect_dma source(%dma_start3A_18 : memref<100000x128xf32, #tpu.memory_space<hbm>>) target(%dma_start3A_13 : memref<128x128xf32, #tpu.memory_space<vmem>>) offsets(%dma_start3A_15 : memref<128xi32, #tpu.memory_space<vmem>>) semaphore(%arg16 : memref<!tpu.dma_semaphore, #tpu.memory_space<semaphore_mem>>)
      %dma_start3A_19 = arith.constant 128 : i32
      %dma_start3A_20 = arith.constant 0 : i32
      %dma_start3A_21 = tpu.memref_slice %arg12[%dma_start3A_19, %dma_start3A_20] : memref<256x128xf32, #tpu.memory_space<vmem>> -> memref<128x128xf32, #tpu.memory_space<vmem>>
      %dma_start3A_22 = arith.constant 128 : i32
      %dma_start3A_23 = tpu.memref_slice %arg9[%dma_start3A_22] : memref<256xi32, #tpu.memory_space<vmem>> -> memref<128xi32, #tpu.memory_space<vmem>>
      %dma_start3A_24 = arith.constant 0 : i32
      %dma_start3A_25 = arith.constant 0 : i32
      %dma_start3A_26 = tpu.memref_slice %arg2[%dma_start3A_24, %dma_start3A_25] : memref<100000x128xf32, #tpu.memory_space<hbm>> -> memref<100000x128xf32, #tpu.memory_space<hbm>>
      tpu.enqueue_indirect_dma source(%dma_start3A_26 : memref<100000x128xf32, #tpu.memory_space<hbm>>) target(%dma_start3A_21 : memref<128x128xf32, #tpu.memory_space<vmem>>) offsets(%dma_start3A_23 : memref<128xi32, #tpu.memory_space<vmem>>) semaphore(%arg16 : memref<!tpu.dma_semaphore, #tpu.memory_space<semaphore_mem>>)
      %dma_wait3A = arith.constant 0 : i32
      %dma_wait3A_27 = arith.constant 0 : i32
      %dma_wait3A_28 = tpu.memref_slice %arg12[%dma_wait3A, %dma_wait3A_27] : memref<256x128xf32, #tpu.memory_space<vmem>> -> memref<128x128xf32, #tpu.memory_space<vmem>>
      %dma_wait3A_29 = arith.constant 0 : i32
      %dma_wait3A_30 = tpu.memref_slice %arg9[%dma_wait3A_29] : memref<256xi32, #tpu.memory_space<vmem>> -> memref<128xi32, #tpu.memory_space<vmem>>
      %dma_wait3A_31 = arith.constant 0 : i32
      %dma_wait3A_32 = arith.constant 0 : i32
      %dma_wait3A_33 = tpu.memref_slice %arg2[%dma_wait3A_31, %dma_wait3A_32] : memref<100000x128xf32, #tpu.memory_space<hbm>> -> memref<100000x128xf32, #tpu.memory_space<hbm>>
      tpu.wait_indirect_dma semaphore(%arg16 : memref<!tpu.dma_semaphore, #tpu.memory_space<semaphore_mem>>) src(%dma_wait3A_33 : memref<100000x128xf32, #tpu.memory_space<hbm>>) dst(%dma_wait3A_28 : memref<128x128xf32, #tpu.memory_space<vmem>>)
      %dma_wait3A_34 = arith.constant 128 : i32
      %dma_wait3A_35 = arith.constant 0 : i32
      %dma_wait3A_36 = tpu.memref_slice %arg12[%dma_wait3A_34, %dma_wait3A_35] : memref<256x128xf32, #tpu.memory_space<vmem>> -> memref<128x128xf32, #tpu.memory_space<vmem>>
      %dma_wait3A_37 = arith.constant 128 : i32
      %dma_wait3A_38 = tpu.memref_slice %arg9[%dma_wait3A_37] : memref<256xi32, #tpu.memory_space<vmem>> -> memref<128xi32, #tpu.memory_space<vmem>>
      %dma_wait3A_39 = arith.constant 0 : i32
      %dma_wait3A_40 = arith.constant 0 : i32
      %dma_wait3A_41 = tpu.memref_slice %arg2[%dma_wait3A_39, %dma_wait3A_40] : memref<100000x128xf32, #tpu.memory_space<hbm>> -> memref<100000x128xf32, #tpu.memory_space<hbm>>
      tpu.wait_indirect_dma semaphore(%arg16 : memref<!tpu.dma_semaphore, #tpu.memory_space<semaphore_mem>>) src(%dma_wait3A_41 : memref<100000x128xf32, #tpu.memory_space<hbm>>) dst(%dma_wait3A_36 : memref<128x128xf32, #tpu.memory_space<vmem>>)
      %scan3A_42 = arith.constant 0 : i32
      %scan3A_43 = arith.constant 0 : i32
      %scan3A_44 = arith.constant 16 : i32
      %scan3A_45 = arith.addi %scan3A_43, %scan3A_44 : i32
      %scan3A_46 = arith.constant 1 : i32
      scf.for %scan3A_48 = %scan3A_43 to %scan3A_45 step %scan3A_46  : i32 {
        %mul3A_49 = arith.constant 16 : i32
        %mul3A_50 = arith.muli %scan3A_48, %mul3A_49 : i32
        %get3A = arith.index_cast %mul3A_50 : i32 to index
        %get3A_51 = tpu.vector_load %arg10[%get3A] {strides = array<i32>} : memref<256xi32, #tpu.memory_space<vmem>>, vector<16xi32>,
        %mul3A_52 = arith.constant 16 : i32
        %mul3A_53 = vector.broadcast %mul3A_52 : i32 to vector<16xi32>
        %mul3A_54 = arith.muli %get3A_51, %mul3A_53 : vector<16xi32>
        %get3A_55 = arith.index_cast %mul3A_50 : i32 to index
        %get3A_56 = tpu.vector_load %arg11[%get3A_55] {strides = array<i32>} : memref<256xi32, #tpu.memory_space<vmem>>, vector<16xi32>,
        %mul3A_57 = arith.constant 16 : i32
        %mul3A_58 = vector.broadcast %mul3A_57 : i32 to vector<16xi32>
        %mul3A_59 = arith.muli %get3A_56, %mul3A_58 : vector<16xi32>
        %add3A_60 = vector.broadcast %mul3A_50 : i32 to vector<16xi32>
        %add3A_61 = arith.addi %add3A_60, %iota3A : vector<16xi32>
        %add3A_62 = arith.constant 0 : i32
        %add3A_63 = vector.broadcast %add3A_62 : i32 to vector<16xi32>
        %add3A_64 = arith.addi %mul3A_54, %add3A_63 : vector<16xi32>
        %gather3A = tpu.vector_load_idx %arg14[%add3A_64] : memref<4160xf32, #tpu.memory_space<vmem>>[vector<16xi32>], vector<16xf32>,
        %broadcast_in_dim3A = arith.constant 64 : i32
        %broadcast_in_dim3A_65 = vector.broadcast %broadcast_in_dim3A : i32 to vector<16xi32>
        tpu.vector_store_idx %arg13[%add3A_61, %broadcast_in_dim3A_65], %gather3A : memref<256x96xf32, #tpu.memory_space<vmem>>[vector<16xi32>, vector<16xi32>], vector<16xf32>,
        %add3A_66 = arith.constant 0 : i32
        %add3A_67 = vector.broadcast %add3A_66 : i32 to vector<16xi32>
        %add3A_68 = arith.addi %mul3A_59, %add3A_67 : vector<16xi32>
        %gather3A_69 = tpu.vector_load_idx %arg15[%add3A_68] : memref<320xf32, #tpu.memory_space<vmem>>[vector<16xi32>], vector<16xf32>,
        %broadcast_in_dim3A_70 = arith.constant 80 : i32
        %broadcast_in_dim3A_71 = vector.broadcast %broadcast_in_dim3A_70 : i32 to vector<16xi32>
        tpu.vector_store_idx %arg13[%add3A_61, %broadcast_in_dim3A_71], %gather3A_69 : memref<256x96xf32, #tpu.memory_space<vmem>>[vector<16xi32>, vector<16xi32>], vector<16xf32>,
        %add3A_72 = arith.constant 1 : i32
        %add3A_73 = vector.broadcast %add3A_72 : i32 to vector<16xi32>
        %add3A_74 = arith.addi %mul3A_54, %add3A_73 : vector<16xi32>
        %gather3A_75 = tpu.vector_load_idx %arg14[%add3A_74] : memref<4160xf32, #tpu.memory_space<vmem>>[vector<16xi32>], vector<16xf32>,
        %broadcast_in_dim3A_76 = arith.constant 65 : i32
        %broadcast_in_dim3A_77 = vector.broadcast %broadcast_in_dim3A_76 : i32 to vector<16xi32>
        tpu.vector_store_idx %arg13[%add3A_61, %broadcast_in_dim3A_77], %gather3A_75 : memref<256x96xf32, #tpu.memory_space<vmem>>[vector<16xi32>, vector<16xi32>], vector<16xf32>,
        %add3A_78 = arith.constant 1 : i32
        %add3A_79 = vector.broadcast %add3A_78 : i32 to vector<16xi32>
        %add3A_80 = arith.addi %mul3A_59, %add3A_79 : vector<16xi32>
        %gather3A_81 = tpu.vector_load_idx %arg15[%add3A_80] : memref<320xf32, #tpu.memory_space<vmem>>[vector<16xi32>], vector<16xf32>,
        %broadcast_in_dim3A_82 = arith.constant 81 : i32
        %broadcast_in_dim3A_83 = vector.broadcast %broadcast_in_dim3A_82 : i32 to vector<16xi32>
        tpu.vector_store_idx %arg13[%add3A_61, %broadcast_in_dim3A_83], %gather3A_81 : memref<256x96xf32, #tpu.memory_space<vmem>>[vector<16xi32>, vector<16xi32>], vector<16xf32>,
        %add3A_84 = arith.constant 2 : i32
        %add3A_85 = vector.broadcast %add3A_84 : i32 to vector<16xi32>
        %add3A_86 = arith.addi %mul3A_54, %add3A_85 : vector<16xi32>
        %gather3A_87 = tpu.vector_load_idx %arg14[%add3A_86] : memref<4160xf32, #tpu.memory_space<vmem>>[vector<16xi32>], vector<16xf32>,
        %broadcast_in_dim3A_88 = arith.constant 66 : i32
        %broadcast_in_dim3A_89 = vector.broadcast %broadcast_in_dim3A_88 : i32 to vector<16xi32>
        tpu.vector_store_idx %arg13[%add3A_61, %broadcast_in_dim3A_89], %gather3A_87 : memref<256x96xf32, #tpu.memory_space<vmem>>[vector<16xi32>, vector<16xi32>], vector<16xf32>,
        %add3A_90 = arith.constant 2 : i32
        %add3A_91 = vector.broadcast %add3A_90 : i32 to vector<16xi32>
        %add3A_92 = arith.addi %mul3A_59, %add3A_91 : vector<16xi32>
        %gather3A_93 = tpu.vector_load_idx %arg15[%add3A_92] : memref<320xf32, #tpu.memory_space<vmem>>[vector<16xi32>], vector<16xf32>,
        %broadcast_in_dim3A_94 = arith.constant 82 : i32
        %broadcast_in_dim3A_95 = vector.broadcast %broadcast_in_dim3A_94 : i32 to vector<16xi32>
        tpu.vector_store_idx %arg13[%add3A_61, %broadcast_in_dim3A_95], %gather3A_93 : memref<256x96xf32, #tpu.memory_space<vmem>>[vector<16xi32>, vector<16xi32>], vector<16xf32>,
        %add3A_96 = arith.constant 3 : i32
        %add3A_97 = vector.broadcast %add3A_96 : i32 to vector<16xi32>
        %add3A_98 = arith.addi %mul3A_54, %add3A_97 : vector<16xi32>
        %gather3A_99 = tpu.vector_load_idx %arg14[%add3A_98] : memref<4160xf32, #tpu.memory_space<vmem>>[vector<16xi32>], vector<16xf32>,
        %broadcast_in_dim3A_100 = arith.constant 67 : i32
        %broadcast_in_dim3A_101 = vector.broadcast %broadcast_in_dim3A_100 : i32 to vector<16xi32>
        tpu.vector_store_idx %arg13[%add3A_61, %broadcast_in_dim3A_101], %gather3A_99 : memref<256x96xf32, #tpu.memory_space<vmem>>[vector<16xi32>, vector<16xi32>], vector<16xf32>,
        %add3A_102 = arith.constant 3 : i32
        %add3A_103 = vector.broadcast %add3A_102 : i32 to vector<16xi32>
        %add3A_104 = arith.addi %mul3A_59, %add3A_103 : vector<16xi32>
        %gather3A_105 = tpu.vector_load_idx %arg15[%add3A_104] : memref<320xf32, #tpu.memory_space<vmem>>[vector<16xi32>], vector<16xf32>,
        %broadcast_in_dim3A_106 = arith.constant 83 : i32
        %broadcast_in_dim3A_107 = vector.broadcast %broadcast_in_dim3A_106 : i32 to vector<16xi32>
        tpu.vector_store_idx %arg13[%add3A_61, %broadcast_in_dim3A_107], %gather3A_105 : memref<256x96xf32, #tpu.memory_space<vmem>>[vector<16xi32>, vector<16xi32>], vector<16xf32>,
        %add3A_108 = arith.constant 4 : i32
        %add3A_109 = vector.broadcast %add3A_108 : i32 to vector<16xi32>
        %add3A_110 = arith.addi %mul3A_54, %add3A_109 : vector<16xi32>
        %gather3A_111 = tpu.vector_load_idx %arg14[%add3A_110] : memref<4160xf32, #tpu.memory_space<vmem>>[vector<16xi32>], vector<16xf32>,
        %broadcast_in_dim3A_112 = arith.constant 68 : i32
        %broadcast_in_dim3A_113 = vector.broadcast %broadcast_in_dim3A_112 : i32 to vector<16xi32>
        tpu.vector_store_idx %arg13[%add3A_61, %broadcast_in_dim3A_113], %gather3A_111 : memref<256x96xf32, #tpu.memory_space<vmem>>[vector<16xi32>, vector<16xi32>], vector<16xf32>,
        %add3A_114 = arith.constant 4 : i32
        %add3A_115 = vector.broadcast %add3A_114 : i32 to vector<16xi32>
        %add3A_116 = arith.addi %mul3A_59, %add3A_115 : vector<16xi32>
        %gather3A_117 = tpu.vector_load_idx %arg15[%add3A_116] : memref<320xf32, #tpu.memory_space<vmem>>[vector<16xi32>], vector<16xf32>,
        %broadcast_in_dim3A_118 = arith.constant 84 : i32
        %broadcast_in_dim3A_119 = vector.broadcast %broadcast_in_dim3A_118 : i32 to vector<16xi32>
        tpu.vector_store_idx %arg13[%add3A_61, %broadcast_in_dim3A_119], %gather3A_117 : memref<256x96xf32, #tpu.memory_space<vmem>>[vector<16xi32>, vector<16xi32>], vector<16xf32>,
        %add3A_120 = arith.constant 5 : i32
        %add3A_121 = vector.broadcast %add3A_120 : i32 to vector<16xi32>
        %add3A_122 = arith.addi %mul3A_54, %add3A_121 : vector<16xi32>
        %gather3A_123 = tpu.vector_load_idx %arg14[%add3A_122] : memref<4160xf32, #tpu.memory_space<vmem>>[vector<16xi32>], vector<16xf32>,
        %broadcast_in_dim3A_124 = arith.constant 69 : i32
        %broadcast_in_dim3A_125 = vector.broadcast %broadcast_in_dim3A_124 : i32 to vector<16xi32>
        tpu.vector_store_idx %arg13[%add3A_61, %broadcast_in_dim3A_125], %gather3A_123 : memref<256x96xf32, #tpu.memory_space<vmem>>[vector<16xi32>, vector<16xi32>], vector<16xf32>,
        %add3A_126 = arith.constant 5 : i32
        %add3A_127 = vector.broadcast %add3A_126 : i32 to vector<16xi32>
        %add3A_128 = arith.addi %mul3A_59, %add3A_127 : vector<16xi32>
        %gather3A_129 = tpu.vector_load_idx %arg15[%add3A_128] : memref<320xf32, #tpu.memory_space<vmem>>[vector<16xi32>], vector<16xf32>,
        %broadcast_in_dim3A_130 = arith.constant 85 : i32
        %broadcast_in_dim3A_131 = vector.broadcast %broadcast_in_dim3A_130 : i32 to vector<16xi32>
        tpu.vector_store_idx %arg13[%add3A_61, %broadcast_in_dim3A_131], %gather3A_129 : memref<256x96xf32, #tpu.memory_space<vmem>>[vector<16xi32>, vector<16xi32>], vector<16xf32>,
        %add3A_132 = arith.constant 6 : i32
        %add3A_133 = vector.broadcast %add3A_132 : i32 to vector<16xi32>
        %add3A_134 = arith.addi %mul3A_54, %add3A_133 : vector<16xi32>
        %gather3A_135 = tpu.vector_load_idx %arg14[%add3A_134] : memref<4160xf32, #tpu.memory_space<vmem>>[vector<16xi32>], vector<16xf32>,
        %broadcast_in_dim3A_136 = arith.constant 70 : i32
        %broadcast_in_dim3A_137 = vector.broadcast %broadcast_in_dim3A_136 : i32 to vector<16xi32>
        tpu.vector_store_idx %arg13[%add3A_61, %broadcast_in_dim3A_137], %gather3A_135 : memref<256x96xf32, #tpu.memory_space<vmem>>[vector<16xi32>, vector<16xi32>], vector<16xf32>,
        %add3A_138 = arith.constant 6 : i32
        %add3A_139 = vector.broadcast %add3A_138 : i32 to vector<16xi32>
        %add3A_140 = arith.addi %mul3A_59, %add3A_139 : vector<16xi32>
        %gather3A_141 = tpu.vector_load_idx %arg15[%add3A_140] : memref<320xf32, #tpu.memory_space<vmem>>[vector<16xi32>], vector<16xf32>,
        %broadcast_in_dim3A_142 = arith.constant 86 : i32
        %broadcast_in_dim3A_143 = vector.broadcast %broadcast_in_dim3A_142 : i32 to vector<16xi32>
        tpu.vector_store_idx %arg13[%add3A_61, %broadcast_in_dim3A_143], %gather3A_141 : memref<256x96xf32, #tpu.memory_space<vmem>>[vector<16xi32>, vector<16xi32>], vector<16xf32>,
        %add3A_144 = arith.constant 7 : i32
        %add3A_145 = vector.broadcast %add3A_144 : i32 to vector<16xi32>
        %add3A_146 = arith.addi %mul3A_54, %add3A_145 : vector<16xi32>
        %gather3A_147 = tpu.vector_load_idx %arg14[%add3A_146] : memref<4160xf32, #tpu.memory_space<vmem>>[vector<16xi32>], vector<16xf32>,
        %broadcast_in_dim3A_148 = arith.constant 71 : i32
        %broadcast_in_dim3A_149 = vector.broadcast %broadcast_in_dim3A_148 : i32 to vector<16xi32>
        tpu.vector_store_idx %arg13[%add3A_61, %broadcast_in_dim3A_149], %gather3A_147 : memref<256x96xf32, #tpu.memory_space<vmem>>[vector<16xi32>, vector<16xi32>], vector<16xf32>,
        %add3A_150 = arith.constant 7 : i32
        %add3A_151 = vector.broadcast %add3A_150 : i32 to vector<16xi32>
        %add3A_152 = arith.addi %mul3A_59, %add3A_151 : vector<16xi32>
        %gather3A_153 = tpu.vector_load_idx %arg15[%add3A_152] : memref<320xf32, #tpu.memory_space<vmem>>[vector<16xi32>], vector<16xf32>,
        %broadcast_in_dim3A_154 = arith.constant 87 : i32
        %broadcast_in_dim3A_155 = vector.broadcast %broadcast_in_dim3A_154 : i32 to vector<16xi32>
        tpu.vector_store_idx %arg13[%add3A_61, %broadcast_in_dim3A_155], %gather3A_153 : memref<256x96xf32, #tpu.memory_space<vmem>>[vector<16xi32>, vector<16xi32>], vector<16xf32>,
        %add3A_156 = arith.constant 8 : i32
        %add3A_157 = vector.broadcast %add3A_156 : i32 to vector<16xi32>
        %add3A_158 = arith.addi %mul3A_54, %add3A_157 : vector<16xi32>
        %gather3A_159 = tpu.vector_load_idx %arg14[%add3A_158] : memref<4160xf32, #tpu.memory_space<vmem>>[vector<16xi32>], vector<16xf32>,
        %broadcast_in_dim3A_160 = arith.constant 72 : i32
        %broadcast_in_dim3A_161 = vector.broadcast %broadcast_in_dim3A_160 : i32 to vector<16xi32>
        tpu.vector_store_idx %arg13[%add3A_61, %broadcast_in_dim3A_161], %gather3A_159 : memref<256x96xf32, #tpu.memory_space<vmem>>[vector<16xi32>, vector<16xi32>], vector<16xf32>,
        %add3A_162 = arith.constant 8 : i32
        %add3A_163 = vector.broadcast %add3A_162 : i32 to vector<16xi32>
        %add3A_164 = arith.addi %mul3A_59, %add3A_163 : vector<16xi32>
        %gather3A_165 = tpu.vector_load_idx %arg15[%add3A_164] : memref<320xf32, #tpu.memory_space<vmem>>[vector<16xi32>], vector<16xf32>,
        %broadcast_in_dim3A_166 = arith.constant 88 : i32
        %broadcast_in_dim3A_167 = vector.broadcast %broadcast_in_dim3A_166 : i32 to vector<16xi32>
        tpu.vector_store_idx %arg13[%add3A_61, %broadcast_in_dim3A_167], %gather3A_165 : memref<256x96xf32, #tpu.memory_space<vmem>>[vector<16xi32>, vector<16xi32>], vector<16xf32>,
        %add3A_168 = arith.constant 9 : i32
        %add3A_169 = vector.broadcast %add3A_168 : i32 to vector<16xi32>
        %add3A_170 = arith.addi %mul3A_54, %add3A_169 : vector<16xi32>
        %gather3A_171 = tpu.vector_load_idx %arg14[%add3A_170] : memref<4160xf32, #tpu.memory_space<vmem>>[vector<16xi32>], vector<16xf32>,
        %broadcast_in_dim3A_172 = arith.constant 73 : i32
        %broadcast_in_dim3A_173 = vector.broadcast %broadcast_in_dim3A_172 : i32 to vector<16xi32>
        tpu.vector_store_idx %arg13[%add3A_61, %broadcast_in_dim3A_173], %gather3A_171 : memref<256x96xf32, #tpu.memory_space<vmem>>[vector<16xi32>, vector<16xi32>], vector<16xf32>,
        %add3A_174 = arith.constant 9 : i32
        %add3A_175 = vector.broadcast %add3A_174 : i32 to vector<16xi32>
        %add3A_176 = arith.addi %mul3A_59, %add3A_175 : vector<16xi32>
        %gather3A_177 = tpu.vector_load_idx %arg15[%add3A_176] : memref<320xf32, #tpu.memory_space<vmem>>[vector<16xi32>], vector<16xf32>,
        %broadcast_in_dim3A_178 = arith.constant 89 : i32
        %broadcast_in_dim3A_179 = vector.broadcast %broadcast_in_dim3A_178 : i32 to vector<16xi32>
        tpu.vector_store_idx %arg13[%add3A_61, %broadcast_in_dim3A_179], %gather3A_177 : memref<256x96xf32, #tpu.memory_space<vmem>>[vector<16xi32>, vector<16xi32>], vector<16xf32>,
        %add3A_180 = arith.constant 10 : i32
        %add3A_181 = vector.broadcast %add3A_180 : i32 to vector<16xi32>
        %add3A_182 = arith.addi %mul3A_54, %add3A_181 : vector<16xi32>
        %gather3A_183 = tpu.vector_load_idx %arg14[%add3A_182] : memref<4160xf32, #tpu.memory_space<vmem>>[vector<16xi32>], vector<16xf32>,
        %broadcast_in_dim3A_184 = arith.constant 74 : i32
        %broadcast_in_dim3A_185 = vector.broadcast %broadcast_in_dim3A_184 : i32 to vector<16xi32>
        tpu.vector_store_idx %arg13[%add3A_61, %broadcast_in_dim3A_185], %gather3A_183 : memref<256x96xf32, #tpu.memory_space<vmem>>[vector<16xi32>, vector<16xi32>], vector<16xf32>,
        %add3A_186 = arith.constant 10 : i32
        %add3A_187 = vector.broadcast %add3A_186 : i32 to vector<16xi32>
        %add3A_188 = arith.addi %mul3A_59, %add3A_187 : vector<16xi32>
        %gather3A_189 = tpu.vector_load_idx %arg15[%add3A_188] : memref<320xf32, #tpu.memory_space<vmem>>[vector<16xi32>], vector<16xf32>,
        %broadcast_in_dim3A_190 = arith.constant 90 : i32
        %broadcast_in_dim3A_191 = vector.broadcast %broadcast_in_dim3A_190 : i32 to vector<16xi32>
        tpu.vector_store_idx %arg13[%add3A_61, %broadcast_in_dim3A_191], %gather3A_189 : memref<256x96xf32, #tpu.memory_space<vmem>>[vector<16xi32>, vector<16xi32>], vector<16xf32>,
        %add3A_192 = arith.constant 11 : i32
        %add3A_193 = vector.broadcast %add3A_192 : i32 to vector<16xi32>
        %add3A_194 = arith.addi %mul3A_54, %add3A_193 : vector<16xi32>
        %gather3A_195 = tpu.vector_load_idx %arg14[%add3A_194] : memref<4160xf32, #tpu.memory_space<vmem>>[vector<16xi32>], vector<16xf32>,
        %broadcast_in_dim3A_196 = arith.constant 75 : i32
        %broadcast_in_dim3A_197 = vector.broadcast %broadcast_in_dim3A_196 : i32 to vector<16xi32>
        tpu.vector_store_idx %arg13[%add3A_61, %broadcast_in_dim3A_197], %gather3A_195 : memref<256x96xf32, #tpu.memory_space<vmem>>[vector<16xi32>, vector<16xi32>], vector<16xf32>,
        %add3A_198 = arith.constant 11 : i32
        %add3A_199 = vector.broadcast %add3A_198 : i32 to vector<16xi32>
        %add3A_200 = arith.addi %mul3A_59, %add3A_199 : vector<16xi32>
        %gather3A_201 = tpu.vector_load_idx %arg15[%add3A_200] : memref<320xf32, #tpu.memory_space<vmem>>[vector<16xi32>], vector<16xf32>,
        %broadcast_in_dim3A_202 = arith.constant 91 : i32
        %broadcast_in_dim3A_203 = vector.broadcast %broadcast_in_dim3A_202 : i32 to vector<16xi32>
        tpu.vector_store_idx %arg13[%add3A_61, %broadcast_in_dim3A_203], %gather3A_201 : memref<256x96xf32, #tpu.memory_space<vmem>>[vector<16xi32>, vector<16xi32>], vector<16xf32>,
        %add3A_204 = arith.constant 12 : i32
        %add3A_205 = vector.broadcast %add3A_204 : i32 to vector<16xi32>
        %add3A_206 = arith.addi %mul3A_54, %add3A_205 : vector<16xi32>
        %gather3A_207 = tpu.vector_load_idx %arg14[%add3A_206] : memref<4160xf32, #tpu.memory_space<vmem>>[vector<16xi32>], vector<16xf32>,
        %broadcast_in_dim3A_208 = arith.constant 76 : i32
        %broadcast_in_dim3A_209 = vector.broadcast %broadcast_in_dim3A_208 : i32 to vector<16xi32>
        tpu.vector_store_idx %arg13[%add3A_61, %broadcast_in_dim3A_209], %gather3A_207 : memref<256x96xf32, #tpu.memory_space<vmem>>[vector<16xi32>, vector<16xi32>], vector<16xf32>,
        %add3A_210 = arith.constant 12 : i32
        %add3A_211 = vector.broadcast %add3A_210 : i32 to vector<16xi32>
        %add3A_212 = arith.addi %mul3A_59, %add3A_211 : vector<16xi32>
        %gather3A_213 = tpu.vector_load_idx %arg15[%add3A_212] : memref<320xf32, #tpu.memory_space<vmem>>[vector<16xi32>], vector<16xf32>,
        %broadcast_in_dim3A_214 = arith.constant 92 : i32
        %broadcast_in_dim3A_215 = vector.broadcast %broadcast_in_dim3A_214 : i32 to vector<16xi32>
        tpu.vector_store_idx %arg13[%add3A_61, %broadcast_in_dim3A_215], %gather3A_213 : memref<256x96xf32, #tpu.memory_space<vmem>>[vector<16xi32>, vector<16xi32>], vector<16xf32>,
        %add3A_216 = arith.constant 13 : i32
        %add3A_217 = vector.broadcast %add3A_216 : i32 to vector<16xi32>
        %add3A_218 = arith.addi %mul3A_54, %add3A_217 : vector<16xi32>
        %gather3A_219 = tpu.vector_load_idx %arg14[%add3A_218] : memref<4160xf32, #tpu.memory_space<vmem>>[vector<16xi32>], vector<16xf32>,
        %broadcast_in_dim3A_220 = arith.constant 77 : i32
        %broadcast_in_dim3A_221 = vector.broadcast %broadcast_in_dim3A_220 : i32 to vector<16xi32>
        tpu.vector_store_idx %arg13[%add3A_61, %broadcast_in_dim3A_221], %gather3A_219 : memref<256x96xf32, #tpu.memory_space<vmem>>[vector<16xi32>, vector<16xi32>], vector<16xf32>,
        %add3A_222 = arith.constant 13 : i32
        %add3A_223 = vector.broadcast %add3A_222 : i32 to vector<16xi32>
        %add3A_224 = arith.addi %mul3A_59, %add3A_223 : vector<16xi32>
        %gather3A_225 = tpu.vector_load_idx %arg15[%add3A_224] : memref<320xf32, #tpu.memory_space<vmem>>[vector<16xi32>], vector<16xf32>,
        %broadcast_in_dim3A_226 = arith.constant 93 : i32
        %broadcast_in_dim3A_227 = vector.broadcast %broadcast_in_dim3A_226 : i32 to vector<16xi32>
        tpu.vector_store_idx %arg13[%add3A_61, %broadcast_in_dim3A_227], %gather3A_225 : memref<256x96xf32, #tpu.memory_space<vmem>>[vector<16xi32>, vector<16xi32>], vector<16xf32>,
        %add3A_228 = arith.constant 14 : i32
        %add3A_229 = vector.broadcast %add3A_228 : i32 to vector<16xi32>
        %add3A_230 = arith.addi %mul3A_54, %add3A_229 : vector<16xi32>
        %gather3A_231 = tpu.vector_load_idx %arg14[%add3A_230] : memref<4160xf32, #tpu.memory_space<vmem>>[vector<16xi32>], vector<16xf32>,
        %broadcast_in_dim3A_232 = arith.constant 78 : i32
        %broadcast_in_dim3A_233 = vector.broadcast %broadcast_in_dim3A_232 : i32 to vector<16xi32>
        tpu.vector_store_idx %arg13[%add3A_61, %broadcast_in_dim3A_233], %gather3A_231 : memref<256x96xf32, #tpu.memory_space<vmem>>[vector<16xi32>, vector<16xi32>], vector<16xf32>,
        %add3A_234 = arith.constant 14 : i32
        %add3A_235 = vector.broadcast %add3A_234 : i32 to vector<16xi32>
        %add3A_236 = arith.addi %mul3A_59, %add3A_235 : vector<16xi32>
        %gather3A_237 = tpu.vector_load_idx %arg15[%add3A_236] : memref<320xf32, #tpu.memory_space<vmem>>[vector<16xi32>], vector<16xf32>,
        %broadcast_in_dim3A_238 = arith.constant 94 : i32
        %broadcast_in_dim3A_239 = vector.broadcast %broadcast_in_dim3A_238 : i32 to vector<16xi32>
        tpu.vector_store_idx %arg13[%add3A_61, %broadcast_in_dim3A_239], %gather3A_237 : memref<256x96xf32, #tpu.memory_space<vmem>>[vector<16xi32>, vector<16xi32>], vector<16xf32>,
        %add3A_240 = arith.constant 15 : i32
        %add3A_241 = vector.broadcast %add3A_240 : i32 to vector<16xi32>
        %add3A_242 = arith.addi %mul3A_54, %add3A_241 : vector<16xi32>
        %gather3A_243 = tpu.vector_load_idx %arg14[%add3A_242] : memref<4160xf32, #tpu.memory_space<vmem>>[vector<16xi32>], vector<16xf32>,
        %broadcast_in_dim3A_244 = arith.constant 79 : i32
        %broadcast_in_dim3A_245 = vector.broadcast %broadcast_in_dim3A_244 : i32 to vector<16xi32>
        tpu.vector_store_idx %arg13[%add3A_61, %broadcast_in_dim3A_245], %gather3A_243 : memref<256x96xf32, #tpu.memory_space<vmem>>[vector<16xi32>, vector<16xi32>], vector<16xf32>,
        %add3A_246 = arith.constant 15 : i32
        %add3A_247 = vector.broadcast %add3A_246 : i32 to vector<16xi32>
        %add3A_248 = arith.addi %mul3A_59, %add3A_247 : vector<16xi32>
        %gather3A_249 = tpu.vector_load_idx %arg15[%add3A_248] : memref<320xf32, #tpu.memory_space<vmem>>[vector<16xi32>], vector<16xf32>,
        %broadcast_in_dim3A_250 = arith.constant 95 : i32
        %broadcast_in_dim3A_251 = vector.broadcast %broadcast_in_dim3A_250 : i32 to vector<16xi32>
        tpu.vector_store_idx %arg13[%add3A_61, %broadcast_in_dim3A_251], %gather3A_249 : memref<256x96xf32, #tpu.memory_space<vmem>>[vector<16xi32>, vector<16xi32>], vector<16xf32>,
        %add3A_252 = arith.constant 0 : i32
        %add3A_253 = arith.addi %mul3A_50, %add3A_252 : i32
        %get3A_254 = arith.index_cast %add3A_253 : i32 to index
        %get3A_255 = arith.constant 0 : index
        %get3A_256 = tpu.vector_load %arg12[%get3A_254, %get3A_255] {strides = array<i32>} : memref<256x128xf32, #tpu.memory_space<vmem>>, vector<16xf32>,
        %add3A_257 = arith.constant 0 : i32
        %add3A_258 = arith.addi %mul3A_50, %add3A_257 : i32
        %swap3A = arith.index_cast %add3A_258 : i32 to index
        %swap3A_259 = arith.constant 0 : index
        %swap3A_260 = tpu.vector_load %arg13[%swap3A, %swap3A_259] {strides = array<i32>} : memref<256x96xf32, #tpu.memory_space<vmem>>, vector<16xf32>,
        tpu.vector_store %arg13[%swap3A, %swap3A_259], %get3A_256 {strides = array<i32>} : memref<256x96xf32, #tpu.memory_space<vmem>>, vector<16xf32>,
        %add3A_261 = arith.constant 0 : i32
        %add3A_262 = arith.addi %mul3A_50, %add3A_261 : i32
        %get3A_263 = arith.index_cast %add3A_262 : i32 to index
        %get3A_264 = arith.constant 16 : index
        %get3A_265 = tpu.vector_load %arg12[%get3A_263, %get3A_264] {strides = array<i32>} : memref<256x128xf32, #tpu.memory_space<vmem>>, vector<16xf32>,
        %add3A_266 = arith.constant 0 : i32
        %add3A_267 = arith.addi %mul3A_50, %add3A_266 : i32
        %swap3A_268 = arith.index_cast %add3A_267 : i32 to index
        %swap3A_269 = arith.constant 16 : index
        %swap3A_270 = tpu.vector_load %arg13[%swap3A_268, %swap3A_269] {strides = array<i32>} : memref<256x96xf32, #tpu.memory_space<vmem>>, vector<16xf32>,
        tpu.vector_store %arg13[%swap3A_268, %swap3A_269], %get3A_265 {strides = array<i32>} : memref<256x96xf32, #tpu.memory_space<vmem>>, vector<16xf32>,
        %add3A_271 = arith.constant 0 : i32
        %add3A_272 = arith.addi %mul3A_50, %add3A_271 : i32
        %get3A_273 = arith.index_cast %add3A_272 : i32 to index
        %get3A_274 = arith.constant 32 : index
        %get3A_275 = tpu.vector_load %arg12[%get3A_273, %get3A_274] {strides = array<i32>} : memref<256x128xf32, #tpu.memory_space<vmem>>, vector<16xf32>,
        %add3A_276 = arith.constant 0 : i32
        %add3A_277 = arith.addi %mul3A_50, %add3A_276 : i32
        %swap3A_278 = arith.index_cast %add3A_277 : i32 to index
        %swap3A_279 = arith.constant 32 : index
        %swap3A_280 = tpu.vector_load %arg13[%swap3A_278, %swap3A_279] {strides = array<i32>} : memref<256x96xf32, #tpu.memory_space<vmem>>, vector<16xf32>,
        tpu.vector_store %arg13[%swap3A_278, %swap3A_279], %get3A_275 {strides = array<i32>} : memref<256x96xf32, #tpu.memory_space<vmem>>, vector<16xf32>,
        %add3A_281 = arith.constant 0 : i32
        %add3A_282 = arith.addi %mul3A_50, %add3A_281 : i32
        %get3A_283 = arith.index_cast %add3A_282 : i32 to index
        %get3A_284 = arith.constant 48 : index
        %get3A_285 = tpu.vector_load %arg12[%get3A_283, %get3A_284] {strides = array<i32>} : memref<256x128xf32, #tpu.memory_space<vmem>>, vector<16xf32>,
        %add3A_286 = arith.constant 0 : i32
        %add3A_287 = arith.addi %mul3A_50, %add3A_286 : i32
        %swap3A_288 = arith.index_cast %add3A_287 : i32 to index
        %swap3A_289 = arith.constant 48 : index
        %swap3A_290 = tpu.vector_load %arg13[%swap3A_288, %swap3A_289] {strides = array<i32>} : memref<256x96xf32, #tpu.memory_space<vmem>>, vector<16xf32>,
        tpu.vector_store %arg13[%swap3A_288, %swap3A_289], %get3A_285 {strides = array<i32>} : memref<256x96xf32, #tpu.memory_space<vmem>>, vector<16xf32>,
        %add3A_291 = arith.constant 1 : i32
        %add3A_292 = arith.addi %mul3A_50, %add3A_291 : i32
        %get3A_293 = arith.index_cast %add3A_292 : i32 to index
        %get3A_294 = arith.constant 0 : index
        %get3A_295 = tpu.vector_load %arg12[%get3A_293, %get3A_294] {strides = array<i32>} : memref<256x128xf32, #tpu.memory_space<vmem>>, vector<16xf32>,
        %add3A_296 = arith.constant 1 : i32
        %add3A_297 = arith.addi %mul3A_50, %add3A_296 : i32
        %swap3A_298 = arith.index_cast %add3A_297 : i32 to index
        %swap3A_299 = arith.constant 0 : index
        %swap3A_300 = tpu.vector_load %arg13[%swap3A_298, %swap3A_299] {strides = array<i32>} : memref<256x96xf32, #tpu.memory_space<vmem>>, vector<16xf32>,
        tpu.vector_store %arg13[%swap3A_298, %swap3A_299], %get3A_295 {strides = array<i32>} : memref<256x96xf32, #tpu.memory_space<vmem>>, vector<16xf32>,
        %add3A_301 = arith.constant 1 : i32
        %add3A_302 = arith.addi %mul3A_50, %add3A_301 : i32
        %get3A_303 = arith.index_cast %add3A_302 : i32 to index
        %get3A_304 = arith.constant 16 : index
        %get3A_305 = tpu.vector_load %arg12[%get3A_303, %get3A_304] {strides = array<i32>} : memref<256x128xf32, #tpu.memory_space<vmem>>, vector<16xf32>,
        %add3A_306 = arith.constant 1 : i32
        %add3A_307 = arith.addi %mul3A_50, %add3A_306 : i32
        %swap3A_308 = arith.index_cast %add3A_307 : i32 to index
        %swap3A_309 = arith.constant 16 : index
        %swap3A_310 = tpu.vector_load %arg13[%swap3A_308, %swap3A_309] {strides = array<i32>} : memref<256x96xf32, #tpu.memory_space<vmem>>, vector<16xf32>,
        tpu.vector_store %arg13[%swap3A_308, %swap3A_309], %get3A_305 {strides = array<i32>} : memref<256x96xf32, #tpu.memory_space<vmem>>, vector<16xf32>,
        %add3A_311 = arith.constant 1 : i32
        %add3A_312 = arith.addi %mul3A_50, %add3A_311 : i32
        %get3A_313 = arith.index_cast %add3A_312 : i32 to index
        %get3A_314 = arith.constant 32 : index
        %get3A_315 = tpu.vector_load %arg12[%get3A_313, %get3A_314] {strides = array<i32>} : memref<256x128xf32, #tpu.memory_space<vmem>>, vector<16xf32>,
        %add3A_316 = arith.constant 1 : i32
        %add3A_317 = arith.addi %mul3A_50, %add3A_316 : i32
        %swap3A_318 = arith.index_cast %add3A_317 : i32 to index
        %swap3A_319 = arith.constant 32 : index
        %swap3A_320 = tpu.vector_load %arg13[%swap3A_318, %swap3A_319] {strides = array<i32>} : memref<256x96xf32, #tpu.memory_space<vmem>>, vector<16xf32>,
        tpu.vector_store %arg13[%swap3A_318, %swap3A_319], %get3A_315 {strides = array<i32>} : memref<256x96xf32, #tpu.memory_space<vmem>>, vector<16xf32>,
        %add3A_321 = arith.constant 1 : i32
        %add3A_322 = arith.addi %mul3A_50, %add3A_321 : i32
        %get3A_323 = arith.index_cast %add3A_322 : i32 to index
        %get3A_324 = arith.constant 48 : index
        %get3A_325 = tpu.vector_load %arg12[%get3A_323, %get3A_324] {strides = array<i32>} : memref<256x128xf32, #tpu.memory_space<vmem>>, vector<16xf32>,
        %add3A_326 = arith.constant 1 : i32
        %add3A_327 = arith.addi %mul3A_50, %add3A_326 : i32
        %swap3A_328 = arith.index_cast %add3A_327 : i32 to index
        %swap3A_329 = arith.constant 48 : index
        %swap3A_330 = tpu.vector_load %arg13[%swap3A_328, %swap3A_329] {strides = array<i32>} : memref<256x96xf32, #tpu.memory_space<vmem>>, vector<16xf32>,
        tpu.vector_store %arg13[%swap3A_328, %swap3A_329], %get3A_325 {strides = array<i32>} : memref<256x96xf32, #tpu.memory_space<vmem>>, vector<16xf32>,
        %add3A_331 = arith.constant 2 : i32
        %add3A_332 = arith.addi %mul3A_50, %add3A_331 : i32
        %get3A_333 = arith.index_cast %add3A_332 : i32 to index
        %get3A_334 = arith.constant 0 : index
        %get3A_335 = tpu.vector_load %arg12[%get3A_333, %get3A_334] {strides = array<i32>} : memref<256x128xf32, #tpu.memory_space<vmem>>, vector<16xf32>,
        %add3A_336 = arith.constant 2 : i32
        %add3A_337 = arith.addi %mul3A_50, %add3A_336 : i32
        %swap3A_338 = arith.index_cast %add3A_337 : i32 to index
        %swap3A_339 = arith.constant 0 : index
        %swap3A_340 = tpu.vector_load %arg13[%swap3A_338, %swap3A_339] {strides = array<i32>} : memref<256x96xf32, #tpu.memory_space<vmem>>, vector<16xf32>,
        tpu.vector_store %arg13[%swap3A_338, %swap3A_339], %get3A_335 {strides = array<i32>} : memref<256x96xf32, #tpu.memory_space<vmem>>, vector<16xf32>,
        %add3A_341 = arith.constant 2 : i32
        %add3A_342 = arith.addi %mul3A_50, %add3A_341 : i32
        %get3A_343 = arith.index_cast %add3A_342 : i32 to index
        %get3A_344 = arith.constant 16 : index
        %get3A_345 = tpu.vector_load %arg12[%get3A_343, %get3A_344] {strides = array<i32>} : memref<256x128xf32, #tpu.memory_space<vmem>>, vector<16xf32>,
        %add3A_346 = arith.constant 2 : i32
        %add3A_347 = arith.addi %mul3A_50, %add3A_346 : i32
        %swap3A_348 = arith.index_cast %add3A_347 : i32 to index
        %swap3A_349 = arith.constant 16 : index
        %swap3A_350 = tpu.vector_load %arg13[%swap3A_348, %swap3A_349] {strides = array<i32>} : memref<256x96xf32, #tpu.memory_space<vmem>>, vector<16xf32>,
        tpu.vector_store %arg13[%swap3A_348, %swap3A_349], %get3A_345 {strides = array<i32>} : memref<256x96xf32, #tpu.memory_space<vmem>>, vector<16xf32>,
        %add3A_351 = arith.constant 2 : i32
        %add3A_352 = arith.addi %mul3A_50, %add3A_351 : i32
        %get3A_353 = arith.index_cast %add3A_352 : i32 to index
        %get3A_354 = arith.constant 32 : index
        %get3A_355 = tpu.vector_load %arg12[%get3A_353, %get3A_354] {strides = array<i32>} : memref<256x128xf32, #tpu.memory_space<vmem>>, vector<16xf32>,
        %add3A_356 = arith.constant 2 : i32
        %add3A_357 = arith.addi %mul3A_50, %add3A_356 : i32
        %swap3A_358 = arith.index_cast %add3A_357 : i32 to index
        %swap3A_359 = arith.constant 32 : index
        %swap3A_360 = tpu.vector_load %arg13[%swap3A_358, %swap3A_359] {strides = array<i32>} : memref<256x96xf32, #tpu.memory_space<vmem>>, vector<16xf32>,
        tpu.vector_store %arg13[%swap3A_358, %swap3A_359], %get3A_355 {strides = array<i32>} : memref<256x96xf32, #tpu.memory_space<vmem>>, vector<16xf32>,
        %add3A_361 = arith.constant 2 : i32
        %add3A_362 = arith.addi %mul3A_50, %add3A_361 : i32
        %get3A_363 = arith.index_cast %add3A_362 : i32 to index
        %get3A_364 = arith.constant 48 : index
        %get3A_365 = tpu.vector_load %arg12[%get3A_363, %get3A_364] {strides = array<i32>} : memref<256x128xf32, #tpu.memory_space<vmem>>, vector<16xf32>,
        %add3A_366 = arith.constant 2 : i32
        %add3A_367 = arith.addi %mul3A_50, %add3A_366 : i32
        %swap3A_368 = arith.index_cast %add3A_367 : i32 to index
        %swap3A_369 = arith.constant 48 : index
        %swap3A_370 = tpu.vector_load %arg13[%swap3A_368, %swap3A_369] {strides = array<i32>} : memref<256x96xf32, #tpu.memory_space<vmem>>, vector<16xf32>,
        tpu.vector_store %arg13[%swap3A_368, %swap3A_369], %get3A_365 {strides = array<i32>} : memref<256x96xf32, #tpu.memory_space<vmem>>, vector<16xf32>,
        %add3A_371 = arith.constant 3 : i32
        %add3A_372 = arith.addi %mul3A_50, %add3A_371 : i32
        %get3A_373 = arith.index_cast %add3A_372 : i32 to index
        %get3A_374 = arith.constant 0 : index
        %get3A_375 = tpu.vector_load %arg12[%get3A_373, %get3A_374] {strides = array<i32>} : memref<256x128xf32, #tpu.memory_space<vmem>>, vector<16xf32>,
        %add3A_376 = arith.constant 3 : i32
        %add3A_377 = arith.addi %mul3A_50, %add3A_376 : i32
        %swap3A_378 = arith.index_cast %add3A_377 : i32 to index
        %swap3A_379 = arith.constant 0 : index
        %swap3A_380 = tpu.vector_load %arg13[%swap3A_378, %swap3A_379] {strides = array<i32>} : memref<256x96xf32, #tpu.memory_space<vmem>>, vector<16xf32>,
        tpu.vector_store %arg13[%swap3A_378, %swap3A_379], %get3A_375 {strides = array<i32>} : memref<256x96xf32, #tpu.memory_space<vmem>>, vector<16xf32>,
        %add3A_381 = arith.constant 3 : i32
        %add3A_382 = arith.addi %mul3A_50, %add3A_381 : i32
        %get3A_383 = arith.index_cast %add3A_382 : i32 to index
        %get3A_384 = arith.constant 16 : index
        %get3A_385 = tpu.vector_load %arg12[%get3A_383, %get3A_384] {strides = array<i32>} : memref<256x128xf32, #tpu.memory_space<vmem>>, vector<16xf32>,
        %add3A_386 = arith.constant 3 : i32
        %add3A_387 = arith.addi %mul3A_50, %add3A_386 : i32
        %swap3A_388 = arith.index_cast %add3A_387 : i32 to index
        %swap3A_389 = arith.constant 16 : index
        %swap3A_390 = tpu.vector_load %arg13[%swap3A_388, %swap3A_389] {strides = array<i32>} : memref<256x96xf32, #tpu.memory_space<vmem>>, vector<16xf32>,
        tpu.vector_store %arg13[%swap3A_388, %swap3A_389], %get3A_385 {strides = array<i32>} : memref<256x96xf32, #tpu.memory_space<vmem>>, vector<16xf32>,
        %add3A_391 = arith.constant 3 : i32
        %add3A_392 = arith.addi %mul3A_50, %add3A_391 : i32
        %get3A_393 = arith.index_cast %add3A_392 : i32 to index
        %get3A_394 = arith.constant 32 : index
        %get3A_395 = tpu.vector_load %arg12[%get3A_393, %get3A_394] {strides = array<i32>} : memref<256x128xf32, #tpu.memory_space<vmem>>, vector<16xf32>,
        %add3A_396 = arith.constant 3 : i32
        %add3A_397 = arith.addi %mul3A_50, %add3A_396 : i32
        %swap3A_398 = arith.index_cast %add3A_397 : i32 to index
        %swap3A_399 = arith.constant 32 : index
        %swap3A_400 = tpu.vector_load %arg13[%swap3A_398, %swap3A_399] {strides = array<i32>} : memref<256x96xf32, #tpu.memory_space<vmem>>, vector<16xf32>,
        tpu.vector_store %arg13[%swap3A_398, %swap3A_399], %get3A_395 {strides = array<i32>} : memref<256x96xf32, #tpu.memory_space<vmem>>, vector<16xf32>,
        %add3A_401 = arith.constant 3 : i32
        %add3A_402 = arith.addi %mul3A_50, %add3A_401 : i32
        %get3A_403 = arith.index_cast %add3A_402 : i32 to index
        %get3A_404 = arith.constant 48 : index
        %get3A_405 = tpu.vector_load %arg12[%get3A_403, %get3A_404] {strides = array<i32>} : memref<256x128xf32, #tpu.memory_space<vmem>>, vector<16xf32>,
        %add3A_406 = arith.constant 3 : i32
        %add3A_407 = arith.addi %mul3A_50, %add3A_406 : i32
        %swap3A_408 = arith.index_cast %add3A_407 : i32 to index
        %swap3A_409 = arith.constant 48 : index
        %swap3A_410 = tpu.vector_load %arg13[%swap3A_408, %swap3A_409] {strides = array<i32>} : memref<256x96xf32, #tpu.memory_space<vmem>>, vector<16xf32>,
        tpu.vector_store %arg13[%swap3A_408, %swap3A_409], %get3A_405 {strides = array<i32>} : memref<256x96xf32, #tpu.memory_space<vmem>>, vector<16xf32>,
        %add3A_411 = arith.constant 4 : i32
        %add3A_412 = arith.addi %mul3A_50, %add3A_411 : i32
        %get3A_413 = arith.index_cast %add3A_412 : i32 to index
        %get3A_414 = arith.constant 0 : index
        %get3A_415 = tpu.vector_load %arg12[%get3A_413, %get3A_414] {strides = array<i32>} : memref<256x128xf32, #tpu.memory_space<vmem>>, vector<16xf32>,
        %add3A_416 = arith.constant 4 : i32
        %add3A_417 = arith.addi %mul3A_50, %add3A_416 : i32
        %swap3A_418 = arith.index_cast %add3A_417 : i32 to index
        %swap3A_419 = arith.constant 0 : index
        %swap3A_420 = tpu.vector_load %arg13[%swap3A_418, %swap3A_419] {strides = array<i32>} : memref<256x96xf32, #tpu.memory_space<vmem>>, vector<16xf32>,
        tpu.vector_store %arg13[%swap3A_418, %swap3A_419], %get3A_415 {strides = array<i32>} : memref<256x96xf32, #tpu.memory_space<vmem>>, vector<16xf32>,
        %add3A_421 = arith.constant 4 : i32
        %add3A_422 = arith.addi %mul3A_50, %add3A_421 : i32
        %get3A_423 = arith.index_cast %add3A_422 : i32 to index
        %get3A_424 = arith.constant 16 : index
        %get3A_425 = tpu.vector_load %arg12[%get3A_423, %get3A_424] {strides = array<i32>} : memref<256x128xf32, #tpu.memory_space<vmem>>, vector<16xf32>,
        %add3A_426 = arith.constant 4 : i32
        %add3A_427 = arith.addi %mul3A_50, %add3A_426 : i32
        %swap3A_428 = arith.index_cast %add3A_427 : i32 to index
        %swap3A_429 = arith.constant 16 : index
        %swap3A_430 = tpu.vector_load %arg13[%swap3A_428, %swap3A_429] {strides = array<i32>} : memref<256x96xf32, #tpu.memory_space<vmem>>, vector<16xf32>,
        tpu.vector_store %arg13[%swap3A_428, %swap3A_429], %get3A_425 {strides = array<i32>} : memref<256x96xf32, #tpu.memory_space<vmem>>, vector<16xf32>,
        %add3A_431 = arith.constant 4 : i32
        %add3A_432 = arith.addi %mul3A_50, %add3A_431 : i32
        %get3A_433 = arith.index_cast %add3A_432 : i32 to index
        %get3A_434 = arith.constant 32 : index
        %get3A_435 = tpu.vector_load %arg12[%get3A_433, %get3A_434] {strides = array<i32>} : memref<256x128xf32, #tpu.memory_space<vmem>>, vector<16xf32>,
        %add3A_436 = arith.constant 4 : i32
        %add3A_437 = arith.addi %mul3A_50, %add3A_436 : i32
        %swap3A_438 = arith.index_cast %add3A_437 : i32 to index
        %swap3A_439 = arith.constant 32 : index
        %swap3A_440 = tpu.vector_load %arg13[%swap3A_438, %swap3A_439] {strides = array<i32>} : memref<256x96xf32, #tpu.memory_space<vmem>>, vector<16xf32>,
        tpu.vector_store %arg13[%swap3A_438, %swap3A_439], %get3A_435 {strides = array<i32>} : memref<256x96xf32, #tpu.memory_space<vmem>>, vector<16xf32>,
        %add3A_441 = arith.constant 4 : i32
        %add3A_442 = arith.addi %mul3A_50, %add3A_441 : i32
        %get3A_443 = arith.index_cast %add3A_442 : i32 to index
        %get3A_444 = arith.constant 48 : index
        %get3A_445 = tpu.vector_load %arg12[%get3A_443, %get3A_444] {strides = array<i32>} : memref<256x128xf32, #tpu.memory_space<vmem>>, vector<16xf32>,
        %add3A_446 = arith.constant 4 : i32
        %add3A_447 = arith.addi %mul3A_50, %add3A_446 : i32
        %swap3A_448 = arith.index_cast %add3A_447 : i32 to index
        %swap3A_449 = arith.constant 48 : index
        %swap3A_450 = tpu.vector_load %arg13[%swap3A_448, %swap3A_449] {strides = array<i32>} : memref<256x96xf32, #tpu.memory_space<vmem>>, vector<16xf32>,
        tpu.vector_store %arg13[%swap3A_448, %swap3A_449], %get3A_445 {strides = array<i32>} : memref<256x96xf32, #tpu.memory_space<vmem>>, vector<16xf32>,
        %add3A_451 = arith.constant 5 : i32
        %add3A_452 = arith.addi %mul3A_50, %add3A_451 : i32
        %get3A_453 = arith.index_cast %add3A_452 : i32 to index
        %get3A_454 = arith.constant 0 : index
        %get3A_455 = tpu.vector_load %arg12[%get3A_453, %get3A_454] {strides = array<i32>} : memref<256x128xf32, #tpu.memory_space<vmem>>, vector<16xf32>,
        %add3A_456 = arith.constant 5 : i32
        %add3A_457 = arith.addi %mul3A_50, %add3A_456 : i32
        %swap3A_458 = arith.index_cast %add3A_457 : i32 to index
        %swap3A_459 = arith.constant 0 : index
        %swap3A_460 = tpu.vector_load %arg13[%swap3A_458, %swap3A_459] {strides = array<i32>} : memref<256x96xf32, #tpu.memory_space<vmem>>, vector<16xf32>,
        tpu.vector_store %arg13[%swap3A_458, %swap3A_459], %get3A_455 {strides = array<i32>} : memref<256x96xf32, #tpu.memory_space<vmem>>, vector<16xf32>,
        %add3A_461 = arith.constant 5 : i32
        %add3A_462 = arith.addi %mul3A_50, %add3A_461 : i32
        %get3A_463 = arith.index_cast %add3A_462 : i32 to index
        %get3A_464 = arith.constant 16 : index
        %get3A_465 = tpu.vector_load %arg12[%get3A_463, %get3A_464] {strides = array<i32>} : memref<256x128xf32, #tpu.memory_space<vmem>>, vector<16xf32>,
        %add3A_466 = arith.constant 5 : i32
        %add3A_467 = arith.addi %mul3A_50, %add3A_466 : i32
        %swap3A_468 = arith.index_cast %add3A_467 : i32 to index
        %swap3A_469 = arith.constant 16 : index
        %swap3A_470 = tpu.vector_load %arg13[%swap3A_468, %swap3A_469] {strides = array<i32>} : memref<256x96xf32, #tpu.memory_space<vmem>>, vector<16xf32>,
        tpu.vector_store %arg13[%swap3A_468, %swap3A_469], %get3A_465 {strides = array<i32>} : memref<256x96xf32, #tpu.memory_space<vmem>>, vector<16xf32>,
        %add3A_471 = arith.constant 5 : i32
        %add3A_472 = arith.addi %mul3A_50, %add3A_471 : i32
        %get3A_473 = arith.index_cast %add3A_472 : i32 to index
        %get3A_474 = arith.constant 32 : index
        %get3A_475 = tpu.vector_load %arg12[%get3A_473, %get3A_474] {strides = array<i32>} : memref<256x128xf32, #tpu.memory_space<vmem>>, vector<16xf32>,
        %add3A_476 = arith.constant 5 : i32
        %add3A_477 = arith.addi %mul3A_50, %add3A_476 : i32
        %swap3A_478 = arith.index_cast %add3A_477 : i32 to index
        %swap3A_479 = arith.constant 32 : index
        %swap3A_480 = tpu.vector_load %arg13[%swap3A_478, %swap3A_479] {strides = array<i32>} : memref<256x96xf32, #tpu.memory_space<vmem>>, vector<16xf32>,
        tpu.vector_store %arg13[%swap3A_478, %swap3A_479], %get3A_475 {strides = array<i32>} : memref<256x96xf32, #tpu.memory_space<vmem>>, vector<16xf32>,
        %add3A_481 = arith.constant 5 : i32
        %add3A_482 = arith.addi %mul3A_50, %add3A_481 : i32
        %get3A_483 = arith.index_cast %add3A_482 : i32 to index
        %get3A_484 = arith.constant 48 : index
        %get3A_485 = tpu.vector_load %arg12[%get3A_483, %get3A_484] {strides = array<i32>} : memref<256x128xf32, #tpu.memory_space<vmem>>, vector<16xf32>,
        %add3A_486 = arith.constant 5 : i32
        %add3A_487 = arith.addi %mul3A_50, %add3A_486 : i32
        %swap3A_488 = arith.index_cast %add3A_487 : i32 to index
        %swap3A_489 = arith.constant 48 : index
        %swap3A_490 = tpu.vector_load %arg13[%swap3A_488, %swap3A_489] {strides = array<i32>} : memref<256x96xf32, #tpu.memory_space<vmem>>, vector<16xf32>,
        tpu.vector_store %arg13[%swap3A_488, %swap3A_489], %get3A_485 {strides = array<i32>} : memref<256x96xf32, #tpu.memory_space<vmem>>, vector<16xf32>,
        %add3A_491 = arith.constant 6 : i32
        %add3A_492 = arith.addi %mul3A_50, %add3A_491 : i32
        %get3A_493 = arith.index_cast %add3A_492 : i32 to index
        %get3A_494 = arith.constant 0 : index
        %get3A_495 = tpu.vector_load %arg12[%get3A_493, %get3A_494] {strides = array<i32>} : memref<256x128xf32, #tpu.memory_space<vmem>>, vector<16xf32>,
        %add3A_496 = arith.constant 6 : i32
        %add3A_497 = arith.addi %mul3A_50, %add3A_496 : i32
        %swap3A_498 = arith.index_cast %add3A_497 : i32 to index
        %swap3A_499 = arith.constant 0 : index
        %swap3A_500 = tpu.vector_load %arg13[%swap3A_498, %swap3A_499] {strides = array<i32>} : memref<256x96xf32, #tpu.memory_space<vmem>>, vector<16xf32>,
        tpu.vector_store %arg13[%swap3A_498, %swap3A_499], %get3A_495 {strides = array<i32>} : memref<256x96xf32, #tpu.memory_space<vmem>>, vector<16xf32>,
        %add3A_501 = arith.constant 6 : i32
        %add3A_502 = arith.addi %mul3A_50, %add3A_501 : i32
        %get3A_503 = arith.index_cast %add3A_502 : i32 to index
        %get3A_504 = arith.constant 16 : index
        %get3A_505 = tpu.vector_load %arg12[%get3A_503, %get3A_504] {strides = array<i32>} : memref<256x128xf32, #tpu.memory_space<vmem>>, vector<16xf32>,
        %add3A_506 = arith.constant 6 : i32
        %add3A_507 = arith.addi %mul3A_50, %add3A_506 : i32
        %swap3A_508 = arith.index_cast %add3A_507 : i32 to index
        %swap3A_509 = arith.constant 16 : index
        %swap3A_510 = tpu.vector_load %arg13[%swap3A_508, %swap3A_509] {strides = array<i32>} : memref<256x96xf32, #tpu.memory_space<vmem>>, vector<16xf32>,
        tpu.vector_store %arg13[%swap3A_508, %swap3A_509], %get3A_505 {strides = array<i32>} : memref<256x96xf32, #tpu.memory_space<vmem>>, vector<16xf32>,
        %add3A_511 = arith.constant 6 : i32
        %add3A_512 = arith.addi %mul3A_50, %add3A_511 : i32
        %get3A_513 = arith.index_cast %add3A_512 : i32 to index
        %get3A_514 = arith.constant 32 : index
        %get3A_515 = tpu.vector_load %arg12[%get3A_513, %get3A_514] {strides = array<i32>} : memref<256x128xf32, #tpu.memory_space<vmem>>, vector<16xf32>,
        %add3A_516 = arith.constant 6 : i32
        %add3A_517 = arith.addi %mul3A_50, %add3A_516 : i32
        %swap3A_518 = arith.index_cast %add3A_517 : i32 to index
        %swap3A_519 = arith.constant 32 : index
        %swap3A_520 = tpu.vector_load %arg13[%swap3A_518, %swap3A_519] {strides = array<i32>} : memref<256x96xf32, #tpu.memory_space<vmem>>, vector<16xf32>,
        tpu.vector_store %arg13[%swap3A_518, %swap3A_519], %get3A_515 {strides = array<i32>} : memref<256x96xf32, #tpu.memory_space<vmem>>, vector<16xf32>,
        %add3A_521 = arith.constant 6 : i32
        %add3A_522 = arith.addi %mul3A_50, %add3A_521 : i32
        %get3A_523 = arith.index_cast %add3A_522 : i32 to index
        %get3A_524 = arith.constant 48 : index
        %get3A_525 = tpu.vector_load %arg12[%get3A_523, %get3A_524] {strides = array<i32>} : memref<256x128xf32, #tpu.memory_space<vmem>>, vector<16xf32>,
        %add3A_526 = arith.constant 6 : i32
        %add3A_527 = arith.addi %mul3A_50, %add3A_526 : i32
        %swap3A_528 = arith.index_cast %add3A_527 : i32 to index
        %swap3A_529 = arith.constant 48 : index
        %swap3A_530 = tpu.vector_load %arg13[%swap3A_528, %swap3A_529] {strides = array<i32>} : memref<256x96xf32, #tpu.memory_space<vmem>>, vector<16xf32>,
        tpu.vector_store %arg13[%swap3A_528, %swap3A_529], %get3A_525 {strides = array<i32>} : memref<256x96xf32, #tpu.memory_space<vmem>>, vector<16xf32>,
        %add3A_531 = arith.constant 7 : i32
        %add3A_532 = arith.addi %mul3A_50, %add3A_531 : i32
        %get3A_533 = arith.index_cast %add3A_532 : i32 to index
        %get3A_534 = arith.constant 0 : index
        %get3A_535 = tpu.vector_load %arg12[%get3A_533, %get3A_534] {strides = array<i32>} : memref<256x128xf32, #tpu.memory_space<vmem>>, vector<16xf32>,
        %add3A_536 = arith.constant 7 : i32
        %add3A_537 = arith.addi %mul3A_50, %add3A_536 : i32
        %swap3A_538 = arith.index_cast %add3A_537 : i32 to index
        %swap3A_539 = arith.constant 0 : index
        %swap3A_540 = tpu.vector_load %arg13[%swap3A_538, %swap3A_539] {strides = array<i32>} : memref<256x96xf32, #tpu.memory_space<vmem>>, vector<16xf32>,
        tpu.vector_store %arg13[%swap3A_538, %swap3A_539], %get3A_535 {strides = array<i32>} : memref<256x96xf32, #tpu.memory_space<vmem>>, vector<16xf32>,
        %add3A_541 = arith.constant 7 : i32
        %add3A_542 = arith.addi %mul3A_50, %add3A_541 : i32
        %get3A_543 = arith.index_cast %add3A_542 : i32 to index
        %get3A_544 = arith.constant 16 : index
        %get3A_545 = tpu.vector_load %arg12[%get3A_543, %get3A_544] {strides = array<i32>} : memref<256x128xf32, #tpu.memory_space<vmem>>, vector<16xf32>,
        %add3A_546 = arith.constant 7 : i32
        %add3A_547 = arith.addi %mul3A_50, %add3A_546 : i32
        %swap3A_548 = arith.index_cast %add3A_547 : i32 to index
        %swap3A_549 = arith.constant 16 : index
        %swap3A_550 = tpu.vector_load %arg13[%swap3A_548, %swap3A_549] {strides = array<i32>} : memref<256x96xf32, #tpu.memory_space<vmem>>, vector<16xf32>,
        tpu.vector_store %arg13[%swap3A_548, %swap3A_549], %get3A_545 {strides = array<i32>} : memref<256x96xf32, #tpu.memory_space<vmem>>, vector<16xf32>,
        %add3A_551 = arith.constant 7 : i32
        %add3A_552 = arith.addi %mul3A_50, %add3A_551 : i32
        %get3A_553 = arith.index_cast %add3A_552 : i32 to index
        %get3A_554 = arith.constant 32 : index
        %get3A_555 = tpu.vector_load %arg12[%get3A_553, %get3A_554] {strides = array<i32>} : memref<256x128xf32, #tpu.memory_space<vmem>>, vector<16xf32>,
        %add3A_556 = arith.constant 7 : i32
        %add3A_557 = arith.addi %mul3A_50, %add3A_556 : i32
        %swap3A_558 = arith.index_cast %add3A_557 : i32 to index
        %swap3A_559 = arith.constant 32 : index
        %swap3A_560 = tpu.vector_load %arg13[%swap3A_558, %swap3A_559] {strides = array<i32>} : memref<256x96xf32, #tpu.memory_space<vmem>>, vector<16xf32>,
        tpu.vector_store %arg13[%swap3A_558, %swap3A_559], %get3A_555 {strides = array<i32>} : memref<256x96xf32, #tpu.memory_space<vmem>>, vector<16xf32>,
        %add3A_561 = arith.constant 7 : i32
        %add3A_562 = arith.addi %mul3A_50, %add3A_561 : i32
        %get3A_563 = arith.index_cast %add3A_562 : i32 to index
        %get3A_564 = arith.constant 48 : index
        %get3A_565 = tpu.vector_load %arg12[%get3A_563, %get3A_564] {strides = array<i32>} : memref<256x128xf32, #tpu.memory_space<vmem>>, vector<16xf32>,
        %add3A_566 = arith.constant 7 : i32
        %add3A_567 = arith.addi %mul3A_50, %add3A_566 : i32
        %swap3A_568 = arith.index_cast %add3A_567 : i32 to index
        %swap3A_569 = arith.constant 48 : index
        %swap3A_570 = tpu.vector_load %arg13[%swap3A_568, %swap3A_569] {strides = array<i32>} : memref<256x96xf32, #tpu.memory_space<vmem>>, vector<16xf32>,
        tpu.vector_store %arg13[%swap3A_568, %swap3A_569], %get3A_565 {strides = array<i32>} : memref<256x96xf32, #tpu.memory_space<vmem>>, vector<16xf32>,
        %add3A_571 = arith.constant 8 : i32
        %add3A_572 = arith.addi %mul3A_50, %add3A_571 : i32
        %get3A_573 = arith.index_cast %add3A_572 : i32 to index
        %get3A_574 = arith.constant 0 : index
        %get3A_575 = tpu.vector_load %arg12[%get3A_573, %get3A_574] {strides = array<i32>} : memref<256x128xf32, #tpu.memory_space<vmem>>, vector<16xf32>,
        %add3A_576 = arith.constant 8 : i32
        %add3A_577 = arith.addi %mul3A_50, %add3A_576 : i32
        %swap3A_578 = arith.index_cast %add3A_577 : i32 to index
        %swap3A_579 = arith.constant 0 : index
        %swap3A_580 = tpu.vector_load %arg13[%swap3A_578, %swap3A_579] {strides = array<i32>} : memref<256x96xf32, #tpu.memory_space<vmem>>, vector<16xf32>,
        tpu.vector_store %arg13[%swap3A_578, %swap3A_579], %get3A_575 {strides = array<i32>} : memref<256x96xf32, #tpu.memory_space<vmem>>, vector<16xf32>,
        %add3A_581 = arith.constant 8 : i32
        %add3A_582 = arith.addi %mul3A_50, %add3A_581 : i32
        %get3A_583 = arith.index_cast %add3A_582 : i32 to index
        %get3A_584 = arith.constant 16 : index
        %get3A_585 = tpu.vector_load %arg12[%get3A_583, %get3A_584] {strides = array<i32>} : memref<256x128xf32, #tpu.memory_space<vmem>>, vector<16xf32>,
        %add3A_586 = arith.constant 8 : i32
        %add3A_587 = arith.addi %mul3A_50, %add3A_586 : i32
        %swap3A_588 = arith.index_cast %add3A_587 : i32 to index
        %swap3A_589 = arith.constant 16 : index
        %swap3A_590 = tpu.vector_load %arg13[%swap3A_588, %swap3A_589] {strides = array<i32>} : memref<256x96xf32, #tpu.memory_space<vmem>>, vector<16xf32>,
        tpu.vector_store %arg13[%swap3A_588, %swap3A_589], %get3A_585 {strides = array<i32>} : memref<256x96xf32, #tpu.memory_space<vmem>>, vector<16xf32>,
        %add3A_591 = arith.constant 8 : i32
        %add3A_592 = arith.addi %mul3A_50, %add3A_591 : i32
        %get3A_593 = arith.index_cast %add3A_592 : i32 to index
        %get3A_594 = arith.constant 32 : index
        %get3A_595 = tpu.vector_load %arg12[%get3A_593, %get3A_594] {strides = array<i32>} : memref<256x128xf32, #tpu.memory_space<vmem>>, vector<16xf32>,
        %add3A_596 = arith.constant 8 : i32
        %add3A_597 = arith.addi %mul3A_50, %add3A_596 : i32
        %swap3A_598 = arith.index_cast %add3A_597 : i32 to index
        %swap3A_599 = arith.constant 32 : index
        %swap3A_600 = tpu.vector_load %arg13[%swap3A_598, %swap3A_599] {strides = array<i32>} : memref<256x96xf32, #tpu.memory_space<vmem>>, vector<16xf32>,
        tpu.vector_store %arg13[%swap3A_598, %swap3A_599], %get3A_595 {strides = array<i32>} : memref<256x96xf32, #tpu.memory_space<vmem>>, vector<16xf32>,
        %add3A_601 = arith.constant 8 : i32
        %add3A_602 = arith.addi %mul3A_50, %add3A_601 : i32
        %get3A_603 = arith.index_cast %add3A_602 : i32 to index
        %get3A_604 = arith.constant 48 : index
        %get3A_605 = tpu.vector_load %arg12[%get3A_603, %get3A_604] {strides = array<i32>} : memref<256x128xf32, #tpu.memory_space<vmem>>, vector<16xf32>,
        %add3A_606 = arith.constant 8 : i32
        %add3A_607 = arith.addi %mul3A_50, %add3A_606 : i32
        %swap3A_608 = arith.index_cast %add3A_607 : i32 to index
        %swap3A_609 = arith.constant 48 : index
        %swap3A_610 = tpu.vector_load %arg13[%swap3A_608, %swap3A_609] {strides = array<i32>} : memref<256x96xf32, #tpu.memory_space<vmem>>, vector<16xf32>,
        tpu.vector_store %arg13[%swap3A_608, %swap3A_609], %get3A_605 {strides = array<i32>} : memref<256x96xf32, #tpu.memory_space<vmem>>, vector<16xf32>,
        %add3A_611 = arith.constant 9 : i32
        %add3A_612 = arith.addi %mul3A_50, %add3A_611 : i32
        %get3A_613 = arith.index_cast %add3A_612 : i32 to index
        %get3A_614 = arith.constant 0 : index
        %get3A_615 = tpu.vector_load %arg12[%get3A_613, %get3A_614] {strides = array<i32>} : memref<256x128xf32, #tpu.memory_space<vmem>>, vector<16xf32>,
        %add3A_616 = arith.constant 9 : i32
        %add3A_617 = arith.addi %mul3A_50, %add3A_616 : i32
        %swap3A_618 = arith.index_cast %add3A_617 : i32 to index
        %swap3A_619 = arith.constant 0 : index
        %swap3A_620 = tpu.vector_load %arg13[%swap3A_618, %swap3A_619] {strides = array<i32>} : memref<256x96xf32, #tpu.memory_space<vmem>>, vector<16xf32>,
        tpu.vector_store %arg13[%swap3A_618, %swap3A_619], %get3A_615 {strides = array<i32>} : memref<256x96xf32, #tpu.memory_space<vmem>>, vector<16xf32>,
        %add3A_621 = arith.constant 9 : i32
        %add3A_622 = arith.addi %mul3A_50, %add3A_621 : i32
        %get3A_623 = arith.index_cast %add3A_622 : i32 to index
        %get3A_624 = arith.constant 16 : index
        %get3A_625 = tpu.vector_load %arg12[%get3A_623, %get3A_624] {strides = array<i32>} : memref<256x128xf32, #tpu.memory_space<vmem>>, vector<16xf32>,
        %add3A_626 = arith.constant 9 : i32
        %add3A_627 = arith.addi %mul3A_50, %add3A_626 : i32
        %swap3A_628 = arith.index_cast %add3A_627 : i32 to index
        %swap3A_629 = arith.constant 16 : index
        %swap3A_630 = tpu.vector_load %arg13[%swap3A_628, %swap3A_629] {strides = array<i32>} : memref<256x96xf32, #tpu.memory_space<vmem>>, vector<16xf32>,
        tpu.vector_store %arg13[%swap3A_628, %swap3A_629], %get3A_625 {strides = array<i32>} : memref<256x96xf32, #tpu.memory_space<vmem>>, vector<16xf32>,
        %add3A_631 = arith.constant 9 : i32
        %add3A_632 = arith.addi %mul3A_50, %add3A_631 : i32
        %get3A_633 = arith.index_cast %add3A_632 : i32 to index
        %get3A_634 = arith.constant 32 : index
        %get3A_635 = tpu.vector_load %arg12[%get3A_633, %get3A_634] {strides = array<i32>} : memref<256x128xf32, #tpu.memory_space<vmem>>, vector<16xf32>,
        %add3A_636 = arith.constant 9 : i32
        %add3A_637 = arith.addi %mul3A_50, %add3A_636 : i32
        %swap3A_638 = arith.index_cast %add3A_637 : i32 to index
        %swap3A_639 = arith.constant 32 : index
        %swap3A_640 = tpu.vector_load %arg13[%swap3A_638, %swap3A_639] {strides = array<i32>} : memref<256x96xf32, #tpu.memory_space<vmem>>, vector<16xf32>,
        tpu.vector_store %arg13[%swap3A_638, %swap3A_639], %get3A_635 {strides = array<i32>} : memref<256x96xf32, #tpu.memory_space<vmem>>, vector<16xf32>,
        %add3A_641 = arith.constant 9 : i32
        %add3A_642 = arith.addi %mul3A_50, %add3A_641 : i32
        %get3A_643 = arith.index_cast %add3A_642 : i32 to index
        %get3A_644 = arith.constant 48 : index
        %get3A_645 = tpu.vector_load %arg12[%get3A_643, %get3A_644] {strides = array<i32>} : memref<256x128xf32, #tpu.memory_space<vmem>>, vector<16xf32>,
        %add3A_646 = arith.constant 9 : i32
        %add3A_647 = arith.addi %mul3A_50, %add3A_646 : i32
        %swap3A_648 = arith.index_cast %add3A_647 : i32 to index
        %swap3A_649 = arith.constant 48 : index
        %swap3A_650 = tpu.vector_load %arg13[%swap3A_648, %swap3A_649] {strides = array<i32>} : memref<256x96xf32, #tpu.memory_space<vmem>>, vector<16xf32>,
        tpu.vector_store %arg13[%swap3A_648, %swap3A_649], %get3A_645 {strides = array<i32>} : memref<256x96xf32, #tpu.memory_space<vmem>>, vector<16xf32>,
        %add3A_651 = arith.constant 10 : i32
        %add3A_652 = arith.addi %mul3A_50, %add3A_651 : i32
        %get3A_653 = arith.index_cast %add3A_652 : i32 to index
        %get3A_654 = arith.constant 0 : index
        %get3A_655 = tpu.vector_load %arg12[%get3A_653, %get3A_654] {strides = array<i32>} : memref<256x128xf32, #tpu.memory_space<vmem>>, vector<16xf32>,
        %add3A_656 = arith.constant 10 : i32
        %add3A_657 = arith.addi %mul3A_50, %add3A_656 : i32
        %swap3A_658 = arith.index_cast %add3A_657 : i32 to index
        %swap3A_659 = arith.constant 0 : index
        %swap3A_660 = tpu.vector_load %arg13[%swap3A_658, %swap3A_659] {strides = array<i32>} : memref<256x96xf32, #tpu.memory_space<vmem>>, vector<16xf32>,
        tpu.vector_store %arg13[%swap3A_658, %swap3A_659], %get3A_655 {strides = array<i32>} : memref<256x96xf32, #tpu.memory_space<vmem>>, vector<16xf32>,
        %add3A_661 = arith.constant 10 : i32
        %add3A_662 = arith.addi %mul3A_50, %add3A_661 : i32
        %get3A_663 = arith.index_cast %add3A_662 : i32 to index
        %get3A_664 = arith.constant 16 : index
        %get3A_665 = tpu.vector_load %arg12[%get3A_663, %get3A_664] {strides = array<i32>} : memref<256x128xf32, #tpu.memory_space<vmem>>, vector<16xf32>,
        %add3A_666 = arith.constant 10 : i32
        %add3A_667 = arith.addi %mul3A_50, %add3A_666 : i32
        %swap3A_668 = arith.index_cast %add3A_667 : i32 to index
        %swap3A_669 = arith.constant 16 : index
        %swap3A_670 = tpu.vector_load %arg13[%swap3A_668, %swap3A_669] {strides = array<i32>} : memref<256x96xf32, #tpu.memory_space<vmem>>, vector<16xf32>,
        tpu.vector_store %arg13[%swap3A_668, %swap3A_669], %get3A_665 {strides = array<i32>} : memref<256x96xf32, #tpu.memory_space<vmem>>, vector<16xf32>,
        %add3A_671 = arith.constant 10 : i32
        %add3A_672 = arith.addi %mul3A_50, %add3A_671 : i32
        %get3A_673 = arith.index_cast %add3A_672 : i32 to index
        %get3A_674 = arith.constant 32 : index
        %get3A_675 = tpu.vector_load %arg12[%get3A_673, %get3A_674] {strides = array<i32>} : memref<256x128xf32, #tpu.memory_space<vmem>>, vector<16xf32>,
        %add3A_676 = arith.constant 10 : i32
        %add3A_677 = arith.addi %mul3A_50, %add3A_676 : i32
        %swap3A_678 = arith.index_cast %add3A_677 : i32 to index
        %swap3A_679 = arith.constant 32 : index
        %swap3A_680 = tpu.vector_load %arg13[%swap3A_678, %swap3A_679] {strides = array<i32>} : memref<256x96xf32, #tpu.memory_space<vmem>>, vector<16xf32>,
        tpu.vector_store %arg13[%swap3A_678, %swap3A_679], %get3A_675 {strides = array<i32>} : memref<256x96xf32, #tpu.memory_space<vmem>>, vector<16xf32>,
        %add3A_681 = arith.constant 10 : i32
        %add3A_682 = arith.addi %mul3A_50, %add3A_681 : i32
        %get3A_683 = arith.index_cast %add3A_682 : i32 to index
        %get3A_684 = arith.constant 48 : index
        %get3A_685 = tpu.vector_load %arg12[%get3A_683, %get3A_684] {strides = array<i32>} : memref<256x128xf32, #tpu.memory_space<vmem>>, vector<16xf32>,
        %add3A_686 = arith.constant 10 : i32
        %add3A_687 = arith.addi %mul3A_50, %add3A_686 : i32
        %swap3A_688 = arith.index_cast %add3A_687 : i32 to index
        %swap3A_689 = arith.constant 48 : index
        %swap3A_690 = tpu.vector_load %arg13[%swap3A_688, %swap3A_689] {strides = array<i32>} : memref<256x96xf32, #tpu.memory_space<vmem>>, vector<16xf32>,
        tpu.vector_store %arg13[%swap3A_688, %swap3A_689], %get3A_685 {strides = array<i32>} : memref<256x96xf32, #tpu.memory_space<vmem>>, vector<16xf32>,
        %add3A_691 = arith.constant 11 : i32
        %add3A_692 = arith.addi %mul3A_50, %add3A_691 : i32
        %get3A_693 = arith.index_cast %add3A_692 : i32 to index
        %get3A_694 = arith.constant 0 : index
        %get3A_695 = tpu.vector_load %arg12[%get3A_693, %get3A_694] {strides = array<i32>} : memref<256x128xf32, #tpu.memory_space<vmem>>, vector<16xf32>,
        %add3A_696 = arith.constant 11 : i32
        %add3A_697 = arith.addi %mul3A_50, %add3A_696 : i32
        %swap3A_698 = arith.index_cast %add3A_697 : i32 to index
        %swap3A_699 = arith.constant 0 : index
        %swap3A_700 = tpu.vector_load %arg13[%swap3A_698, %swap3A_699] {strides = array<i32>} : memref<256x96xf32, #tpu.memory_space<vmem>>, vector<16xf32>,
        tpu.vector_store %arg13[%swap3A_698, %swap3A_699], %get3A_695 {strides = array<i32>} : memref<256x96xf32, #tpu.memory_space<vmem>>, vector<16xf32>,
        %add3A_701 = arith.constant 11 : i32
        %add3A_702 = arith.addi %mul3A_50, %add3A_701 : i32
        %get3A_703 = arith.index_cast %add3A_702 : i32 to index
        %get3A_704 = arith.constant 16 : index
        %get3A_705 = tpu.vector_load %arg12[%get3A_703, %get3A_704] {strides = array<i32>} : memref<256x128xf32, #tpu.memory_space<vmem>>, vector<16xf32>,
        %add3A_706 = arith.constant 11 : i32
        %add3A_707 = arith.addi %mul3A_50, %add3A_706 : i32
        %swap3A_708 = arith.index_cast %add3A_707 : i32 to index
        %swap3A_709 = arith.constant 16 : index
        %swap3A_710 = tpu.vector_load %arg13[%swap3A_708, %swap3A_709] {strides = array<i32>} : memref<256x96xf32, #tpu.memory_space<vmem>>, vector<16xf32>,
        tpu.vector_store %arg13[%swap3A_708, %swap3A_709], %get3A_705 {strides = array<i32>} : memref<256x96xf32, #tpu.memory_space<vmem>>, vector<16xf32>,
        %add3A_711 = arith.constant 11 : i32
        %add3A_712 = arith.addi %mul3A_50, %add3A_711 : i32
        %get3A_713 = arith.index_cast %add3A_712 : i32 to index
        %get3A_714 = arith.constant 32 : index
        %get3A_715 = tpu.vector_load %arg12[%get3A_713, %get3A_714] {strides = array<i32>} : memref<256x128xf32, #tpu.memory_space<vmem>>, vector<16xf32>,
        %add3A_716 = arith.constant 11 : i32
        %add3A_717 = arith.addi %mul3A_50, %add3A_716 : i32
        %swap3A_718 = arith.index_cast %add3A_717 : i32 to index
        %swap3A_719 = arith.constant 32 : index
        %swap3A_720 = tpu.vector_load %arg13[%swap3A_718, %swap3A_719] {strides = array<i32>} : memref<256x96xf32, #tpu.memory_space<vmem>>, vector<16xf32>,
        tpu.vector_store %arg13[%swap3A_718, %swap3A_719], %get3A_715 {strides = array<i32>} : memref<256x96xf32, #tpu.memory_space<vmem>>, vector<16xf32>,
        %add3A_721 = arith.constant 11 : i32
        %add3A_722 = arith.addi %mul3A_50, %add3A_721 : i32
        %get3A_723 = arith.index_cast %add3A_722 : i32 to index
        %get3A_724 = arith.constant 48 : index
        %get3A_725 = tpu.vector_load %arg12[%get3A_723, %get3A_724] {strides = array<i32>} : memref<256x128xf32, #tpu.memory_space<vmem>>, vector<16xf32>,
        %add3A_726 = arith.constant 11 : i32
        %add3A_727 = arith.addi %mul3A_50, %add3A_726 : i32
        %swap3A_728 = arith.index_cast %add3A_727 : i32 to index
        %swap3A_729 = arith.constant 48 : index
        %swap3A_730 = tpu.vector_load %arg13[%swap3A_728, %swap3A_729] {strides = array<i32>} : memref<256x96xf32, #tpu.memory_space<vmem>>, vector<16xf32>,
        tpu.vector_store %arg13[%swap3A_728, %swap3A_729], %get3A_725 {strides = array<i32>} : memref<256x96xf32, #tpu.memory_space<vmem>>, vector<16xf32>,
        %add3A_731 = arith.constant 12 : i32
        %add3A_732 = arith.addi %mul3A_50, %add3A_731 : i32
        %get3A_733 = arith.index_cast %add3A_732 : i32 to index
        %get3A_734 = arith.constant 0 : index
        %get3A_735 = tpu.vector_load %arg12[%get3A_733, %get3A_734] {strides = array<i32>} : memref<256x128xf32, #tpu.memory_space<vmem>>, vector<16xf32>,
        %add3A_736 = arith.constant 12 : i32
        %add3A_737 = arith.addi %mul3A_50, %add3A_736 : i32
        %swap3A_738 = arith.index_cast %add3A_737 : i32 to index
        %swap3A_739 = arith.constant 0 : index
        %swap3A_740 = tpu.vector_load %arg13[%swap3A_738, %swap3A_739] {strides = array<i32>} : memref<256x96xf32, #tpu.memory_space<vmem>>, vector<16xf32>,
        tpu.vector_store %arg13[%swap3A_738, %swap3A_739], %get3A_735 {strides = array<i32>} : memref<256x96xf32, #tpu.memory_space<vmem>>, vector<16xf32>,
        %add3A_741 = arith.constant 12 : i32
        %add3A_742 = arith.addi %mul3A_50, %add3A_741 : i32
        %get3A_743 = arith.index_cast %add3A_742 : i32 to index
        %get3A_744 = arith.constant 16 : index
        %get3A_745 = tpu.vector_load %arg12[%get3A_743, %get3A_744] {strides = array<i32>} : memref<256x128xf32, #tpu.memory_space<vmem>>, vector<16xf32>,
        %add3A_746 = arith.constant 12 : i32
        %add3A_747 = arith.addi %mul3A_50, %add3A_746 : i32
        %swap3A_748 = arith.index_cast %add3A_747 : i32 to index
        %swap3A_749 = arith.constant 16 : index
        %swap3A_750 = tpu.vector_load %arg13[%swap3A_748, %swap3A_749] {strides = array<i32>} : memref<256x96xf32, #tpu.memory_space<vmem>>, vector<16xf32>,
        tpu.vector_store %arg13[%swap3A_748, %swap3A_749], %get3A_745 {strides = array<i32>} : memref<256x96xf32, #tpu.memory_space<vmem>>, vector<16xf32>,
        %add3A_751 = arith.constant 12 : i32
        %add3A_752 = arith.addi %mul3A_50, %add3A_751 : i32
        %get3A_753 = arith.index_cast %add3A_752 : i32 to index
        %get3A_754 = arith.constant 32 : index
        %get3A_755 = tpu.vector_load %arg12[%get3A_753, %get3A_754] {strides = array<i32>} : memref<256x128xf32, #tpu.memory_space<vmem>>, vector<16xf32>,
        %add3A_756 = arith.constant 12 : i32
        %add3A_757 = arith.addi %mul3A_50, %add3A_756 : i32
        %swap3A_758 = arith.index_cast %add3A_757 : i32 to index
        %swap3A_759 = arith.constant 32 : index
        %swap3A_760 = tpu.vector_load %arg13[%swap3A_758, %swap3A_759] {strides = array<i32>} : memref<256x96xf32, #tpu.memory_space<vmem>>, vector<16xf32>,
        tpu.vector_store %arg13[%swap3A_758, %swap3A_759], %get3A_755 {strides = array<i32>} : memref<256x96xf32, #tpu.memory_space<vmem>>, vector<16xf32>,
        %add3A_761 = arith.constant 12 : i32
        %add3A_762 = arith.addi %mul3A_50, %add3A_761 : i32
        %get3A_763 = arith.index_cast %add3A_762 : i32 to index
        %get3A_764 = arith.constant 48 : index
        %get3A_765 = tpu.vector_load %arg12[%get3A_763, %get3A_764] {strides = array<i32>} : memref<256x128xf32, #tpu.memory_space<vmem>>, vector<16xf32>,
        %add3A_766 = arith.constant 12 : i32
        %add3A_767 = arith.addi %mul3A_50, %add3A_766 : i32
        %swap3A_768 = arith.index_cast %add3A_767 : i32 to index
        %swap3A_769 = arith.constant 48 : index
        %swap3A_770 = tpu.vector_load %arg13[%swap3A_768, %swap3A_769] {strides = array<i32>} : memref<256x96xf32, #tpu.memory_space<vmem>>, vector<16xf32>,
        tpu.vector_store %arg13[%swap3A_768, %swap3A_769], %get3A_765 {strides = array<i32>} : memref<256x96xf32, #tpu.memory_space<vmem>>, vector<16xf32>,
        %add3A_771 = arith.constant 13 : i32
        %add3A_772 = arith.addi %mul3A_50, %add3A_771 : i32
        %get3A_773 = arith.index_cast %add3A_772 : i32 to index
        %get3A_774 = arith.constant 0 : index
        %get3A_775 = tpu.vector_load %arg12[%get3A_773, %get3A_774] {strides = array<i32>} : memref<256x128xf32, #tpu.memory_space<vmem>>, vector<16xf32>,
        %add3A_776 = arith.constant 13 : i32
        %add3A_777 = arith.addi %mul3A_50, %add3A_776 : i32
        %swap3A_778 = arith.index_cast %add3A_777 : i32 to index
        %swap3A_779 = arith.constant 0 : index
        %swap3A_780 = tpu.vector_load %arg13[%swap3A_778, %swap3A_779] {strides = array<i32>} : memref<256x96xf32, #tpu.memory_space<vmem>>, vector<16xf32>,
        tpu.vector_store %arg13[%swap3A_778, %swap3A_779], %get3A_775 {strides = array<i32>} : memref<256x96xf32, #tpu.memory_space<vmem>>, vector<16xf32>,
        %add3A_781 = arith.constant 13 : i32
        %add3A_782 = arith.addi %mul3A_50, %add3A_781 : i32
        %get3A_783 = arith.index_cast %add3A_782 : i32 to index
        %get3A_784 = arith.constant 16 : index
        %get3A_785 = tpu.vector_load %arg12[%get3A_783, %get3A_784] {strides = array<i32>} : memref<256x128xf32, #tpu.memory_space<vmem>>, vector<16xf32>,
        %add3A_786 = arith.constant 13 : i32
        %add3A_787 = arith.addi %mul3A_50, %add3A_786 : i32
        %swap3A_788 = arith.index_cast %add3A_787 : i32 to index
        %swap3A_789 = arith.constant 16 : index
        %swap3A_790 = tpu.vector_load %arg13[%swap3A_788, %swap3A_789] {strides = array<i32>} : memref<256x96xf32, #tpu.memory_space<vmem>>, vector<16xf32>,
        tpu.vector_store %arg13[%swap3A_788, %swap3A_789], %get3A_785 {strides = array<i32>} : memref<256x96xf32, #tpu.memory_space<vmem>>, vector<16xf32>,
        %add3A_791 = arith.constant 13 : i32
        %add3A_792 = arith.addi %mul3A_50, %add3A_791 : i32
        %get3A_793 = arith.index_cast %add3A_792 : i32 to index
        %get3A_794 = arith.constant 32 : index
        %get3A_795 = tpu.vector_load %arg12[%get3A_793, %get3A_794] {strides = array<i32>} : memref<256x128xf32, #tpu.memory_space<vmem>>, vector<16xf32>,
        %add3A_796 = arith.constant 13 : i32
        %add3A_797 = arith.addi %mul3A_50, %add3A_796 : i32
        %swap3A_798 = arith.index_cast %add3A_797 : i32 to index
        %swap3A_799 = arith.constant 32 : index
        %swap3A_800 = tpu.vector_load %arg13[%swap3A_798, %swap3A_799] {strides = array<i32>} : memref<256x96xf32, #tpu.memory_space<vmem>>, vector<16xf32>,
        tpu.vector_store %arg13[%swap3A_798, %swap3A_799], %get3A_795 {strides = array<i32>} : memref<256x96xf32, #tpu.memory_space<vmem>>, vector<16xf32>,
        %add3A_801 = arith.constant 13 : i32
        %add3A_802 = arith.addi %mul3A_50, %add3A_801 : i32
        %get3A_803 = arith.index_cast %add3A_802 : i32 to index
        %get3A_804 = arith.constant 48 : index
        %get3A_805 = tpu.vector_load %arg12[%get3A_803, %get3A_804] {strides = array<i32>} : memref<256x128xf32, #tpu.memory_space<vmem>>, vector<16xf32>,
        %add3A_806 = arith.constant 13 : i32
        %add3A_807 = arith.addi %mul3A_50, %add3A_806 : i32
        %swap3A_808 = arith.index_cast %add3A_807 : i32 to index
        %swap3A_809 = arith.constant 48 : index
        %swap3A_810 = tpu.vector_load %arg13[%swap3A_808, %swap3A_809] {strides = array<i32>} : memref<256x96xf32, #tpu.memory_space<vmem>>, vector<16xf32>,
        tpu.vector_store %arg13[%swap3A_808, %swap3A_809], %get3A_805 {strides = array<i32>} : memref<256x96xf32, #tpu.memory_space<vmem>>, vector<16xf32>,
        %add3A_811 = arith.constant 14 : i32
        %add3A_812 = arith.addi %mul3A_50, %add3A_811 : i32
        %get3A_813 = arith.index_cast %add3A_812 : i32 to index
        %get3A_814 = arith.constant 0 : index
        %get3A_815 = tpu.vector_load %arg12[%get3A_813, %get3A_814] {strides = array<i32>} : memref<256x128xf32, #tpu.memory_space<vmem>>, vector<16xf32>,
        %add3A_816 = arith.constant 14 : i32
        %add3A_817 = arith.addi %mul3A_50, %add3A_816 : i32
        %swap3A_818 = arith.index_cast %add3A_817 : i32 to index
        %swap3A_819 = arith.constant 0 : index
        %swap3A_820 = tpu.vector_load %arg13[%swap3A_818, %swap3A_819] {strides = array<i32>} : memref<256x96xf32, #tpu.memory_space<vmem>>, vector<16xf32>,
        tpu.vector_store %arg13[%swap3A_818, %swap3A_819], %get3A_815 {strides = array<i32>} : memref<256x96xf32, #tpu.memory_space<vmem>>, vector<16xf32>,
        %add3A_821 = arith.constant 14 : i32
        %add3A_822 = arith.addi %mul3A_50, %add3A_821 : i32
        %get3A_823 = arith.index_cast %add3A_822 : i32 to index
        %get3A_824 = arith.constant 16 : index
        %get3A_825 = tpu.vector_load %arg12[%get3A_823, %get3A_824] {strides = array<i32>} : memref<256x128xf32, #tpu.memory_space<vmem>>, vector<16xf32>,
        %add3A_826 = arith.constant 14 : i32
        %add3A_827 = arith.addi %mul3A_50, %add3A_826 : i32
        %swap3A_828 = arith.index_cast %add3A_827 : i32 to index
        %swap3A_829 = arith.constant 16 : index
        %swap3A_830 = tpu.vector_load %arg13[%swap3A_828, %swap3A_829] {strides = array<i32>} : memref<256x96xf32, #tpu.memory_space<vmem>>, vector<16xf32>,
        tpu.vector_store %arg13[%swap3A_828, %swap3A_829], %get3A_825 {strides = array<i32>} : memref<256x96xf32, #tpu.memory_space<vmem>>, vector<16xf32>,
        %add3A_831 = arith.constant 14 : i32
        %add3A_832 = arith.addi %mul3A_50, %add3A_831 : i32
        %get3A_833 = arith.index_cast %add3A_832 : i32 to index
        %get3A_834 = arith.constant 32 : index
        %get3A_835 = tpu.vector_load %arg12[%get3A_833, %get3A_834] {strides = array<i32>} : memref<256x128xf32, #tpu.memory_space<vmem>>, vector<16xf32>,
        %add3A_836 = arith.constant 14 : i32
        %add3A_837 = arith.addi %mul3A_50, %add3A_836 : i32
        %swap3A_838 = arith.index_cast %add3A_837 : i32 to index
        %swap3A_839 = arith.constant 32 : index
        %swap3A_840 = tpu.vector_load %arg13[%swap3A_838, %swap3A_839] {strides = array<i32>} : memref<256x96xf32, #tpu.memory_space<vmem>>, vector<16xf32>,
        tpu.vector_store %arg13[%swap3A_838, %swap3A_839], %get3A_835 {strides = array<i32>} : memref<256x96xf32, #tpu.memory_space<vmem>>, vector<16xf32>,
        %add3A_841 = arith.constant 14 : i32
        %add3A_842 = arith.addi %mul3A_50, %add3A_841 : i32
        %get3A_843 = arith.index_cast %add3A_842 : i32 to index
        %get3A_844 = arith.constant 48 : index
        %get3A_845 = tpu.vector_load %arg12[%get3A_843, %get3A_844] {strides = array<i32>} : memref<256x128xf32, #tpu.memory_space<vmem>>, vector<16xf32>,
        %add3A_846 = arith.constant 14 : i32
        %add3A_847 = arith.addi %mul3A_50, %add3A_846 : i32
        %swap3A_848 = arith.index_cast %add3A_847 : i32 to index
        %swap3A_849 = arith.constant 48 : index
        %swap3A_850 = tpu.vector_load %arg13[%swap3A_848, %swap3A_849] {strides = array<i32>} : memref<256x96xf32, #tpu.memory_space<vmem>>, vector<16xf32>,
        tpu.vector_store %arg13[%swap3A_848, %swap3A_849], %get3A_845 {strides = array<i32>} : memref<256x96xf32, #tpu.memory_space<vmem>>, vector<16xf32>,
        %add3A_851 = arith.constant 15 : i32
        %add3A_852 = arith.addi %mul3A_50, %add3A_851 : i32
        %get3A_853 = arith.index_cast %add3A_852 : i32 to index
        %get3A_854 = arith.constant 0 : index
        %get3A_855 = tpu.vector_load %arg12[%get3A_853, %get3A_854] {strides = array<i32>} : memref<256x128xf32, #tpu.memory_space<vmem>>, vector<16xf32>,
        %add3A_856 = arith.constant 15 : i32
        %add3A_857 = arith.addi %mul3A_50, %add3A_856 : i32
        %swap3A_858 = arith.index_cast %add3A_857 : i32 to index
        %swap3A_859 = arith.constant 0 : index
        %swap3A_860 = tpu.vector_load %arg13[%swap3A_858, %swap3A_859] {strides = array<i32>} : memref<256x96xf32, #tpu.memory_space<vmem>>, vector<16xf32>,
        tpu.vector_store %arg13[%swap3A_858, %swap3A_859], %get3A_855 {strides = array<i32>} : memref<256x96xf32, #tpu.memory_space<vmem>>, vector<16xf32>,
        %add3A_861 = arith.constant 15 : i32
        %add3A_862 = arith.addi %mul3A_50, %add3A_861 : i32
        %get3A_863 = arith.index_cast %add3A_862 : i32 to index
        %get3A_864 = arith.constant 16 : index
        %get3A_865 = tpu.vector_load %arg12[%get3A_863, %get3A_864] {strides = array<i32>} : memref<256x128xf32, #tpu.memory_space<vmem>>, vector<16xf32>,
        %add3A_866 = arith.constant 15 : i32
        %add3A_867 = arith.addi %mul3A_50, %add3A_866 : i32
        %swap3A_868 = arith.index_cast %add3A_867 : i32 to index
        %swap3A_869 = arith.constant 16 : index
        %swap3A_870 = tpu.vector_load %arg13[%swap3A_868, %swap3A_869] {strides = array<i32>} : memref<256x96xf32, #tpu.memory_space<vmem>>, vector<16xf32>,
        tpu.vector_store %arg13[%swap3A_868, %swap3A_869], %get3A_865 {strides = array<i32>} : memref<256x96xf32, #tpu.memory_space<vmem>>, vector<16xf32>,
        %add3A_871 = arith.constant 15 : i32
        %add3A_872 = arith.addi %mul3A_50, %add3A_871 : i32
        %get3A_873 = arith.index_cast %add3A_872 : i32 to index
        %get3A_874 = arith.constant 32 : index
        %get3A_875 = tpu.vector_load %arg12[%get3A_873, %get3A_874] {strides = array<i32>} : memref<256x128xf32, #tpu.memory_space<vmem>>, vector<16xf32>,
        %add3A_876 = arith.constant 15 : i32
        %add3A_877 = arith.addi %mul3A_50, %add3A_876 : i32
        %swap3A_878 = arith.index_cast %add3A_877 : i32 to index
        %swap3A_879 = arith.constant 32 : index
        %swap3A_880 = tpu.vector_load %arg13[%swap3A_878, %swap3A_879] {strides = array<i32>} : memref<256x96xf32, #tpu.memory_space<vmem>>, vector<16xf32>,
        tpu.vector_store %arg13[%swap3A_878, %swap3A_879], %get3A_875 {strides = array<i32>} : memref<256x96xf32, #tpu.memory_space<vmem>>, vector<16xf32>,
        %add3A_881 = arith.constant 15 : i32
        %add3A_882 = arith.addi %mul3A_50, %add3A_881 : i32
        %get3A_883 = arith.index_cast %add3A_882 : i32 to index
        %get3A_884 = arith.constant 48 : index
        %get3A_885 = tpu.vector_load %arg12[%get3A_883, %get3A_884] {strides = array<i32>} : memref<256x128xf32, #tpu.memory_space<vmem>>, vector<16xf32>,
        %add3A_886 = arith.constant 15 : i32
        %add3A_887 = arith.addi %mul3A_50, %add3A_886 : i32
        %swap3A_888 = arith.index_cast %add3A_887 : i32 to index
        %swap3A_889 = arith.constant 48 : index
        %swap3A_890 = tpu.vector_load %arg13[%swap3A_888, %swap3A_889] {strides = array<i32>} : memref<256x96xf32, #tpu.memory_space<vmem>>, vector<16xf32>,
        tpu.vector_store %arg13[%swap3A_888, %swap3A_889], %get3A_885 {strides = array<i32>} : memref<256x96xf32, #tpu.memory_space<vmem>>, vector<16xf32>,
      }
      %scan3A_47 = arith.constant 16 : i32
      "tpu.region"() ({
        %run_scoped3A = tpu.sem_alloc : memref<!tpu.dma_semaphore, #tpu.memory_space<semaphore_mem>>
        %dma_start3A_48 = arith.constant 0 : i32
        %dma_start3A_49 = tpu.memref_slice %arg8[%add3A_11, %dma_start3A_48] : memref<819200x96xf32, #tpu.memory_space<hbm>> -> memref<256x96xf32, #tpu.memory_space<hbm>>
        %dma_start3A_50 = arith.constant 0 : i32
        %dma_start3A_51 = tpu.memref_slice %arg8[%add3A_11, %dma_start3A_50] : memref<819200x96xf32, #tpu.memory_space<hbm>> -> memref<256x96xf32, #tpu.memory_space<hbm>>
        tpu.enqueue_dma source(%arg13 : memref<256x96xf32, #tpu.memory_space<vmem>>) target(%dma_start3A_51 : memref<256x96xf32, #tpu.memory_space<hbm>>) target_semaphore(%run_scoped3A : memref<!tpu.dma_semaphore, #tpu.memory_space<semaphore_mem>>)
        %dma_wait3A_52 = arith.constant 0 : i32
        %dma_wait3A_53 = tpu.memref_slice %arg8[%add3A_11, %dma_wait3A_52] : memref<819200x96xf32, #tpu.memory_space<hbm>> -> memref<256x96xf32, #tpu.memory_space<hbm>>
        %dma_wait3A_54 = arith.constant 0 : i32
        %dma_wait3A_55 = tpu.memref_slice %arg8[%add3A_11, %dma_wait3A_54] : memref<819200x96xf32, #tpu.memory_space<hbm>> -> memref<256x96xf32, #tpu.memory_space<hbm>>
        tpu.wait_dma2 semaphore(%run_scoped3A : memref<!tpu.dma_semaphore, #tpu.memory_space<semaphore_mem>>) src(%arg13 : memref<256x96xf32, #tpu.memory_space<vmem>>) dst(%dma_wait3A_55 : memref<256x96xf32, #tpu.memory_space<hbm>>)
        tpu.yield
      }) : () -> ()
    }
    %scan3A_5 = arith.constant 100 : i32
    return
  }
}

module attributes {stable_mosaic.version = 14 : i64} {
  func.func @body(%arg0: i32, %arg1: memref<1xi32, #tpu.memory_space<smem>>, %arg2: memref<1000x64xf32, #tpu.memory_space<vmem>>, %arg3: memref<1x1000x64xf32, #tpu.memory_space<vmem>>, %arg4: memref<1000x128xf32, #tpu.memory_space<vmem>>) attributes {dimension_semantics = [#tpu.dimension_semantics<arbitrary>], iteration_bounds = array<i64: 100>, scalar_prefetch = 1 : i64, scratch_operands = 0 : i64, tpu.core_type = #tpu.core_type<tc>, window_params = [{transform_indices = @transform_0, window_bounds = array<i64: 1000, 64>}, {transform_indices = @transform_1, window_bounds = array<i64: 1, 1000, 64>}, {transform_indices = @transform_2, window_bounds = array<i64: 1000, 128>}]} {
    %get3A = arith.constant 0 : index
    %get3A_0 = arith.constant 0 : index
    %get3A_1 = vector.load %arg2[%get3A, %get3A_0] : memref<1000x64xf32, #tpu.memory_space<vmem>>, vector<1000x64xf32>
    %get3A_2 = arith.constant 0 : index
    %get3A_3 = arith.constant 0 : index
    %get3A_4 = arith.constant 0 : index
    %get3A_5 = vector.load %arg3[%get3A_2, %get3A_3, %get3A_4] : memref<1x1000x64xf32, #tpu.memory_space<vmem>>, vector<1x1000x64xf32>
    %get3A_6 = vector.shape_cast %get3A_5 : vector<1x1000x64xf32> to vector<1000x64xf32>
    %add3A = arith.addf %get3A_1, %get3A_6 : vector<1000x64xf32>
    %broadcast_in_dim3A = arith.constant 0.000000e+00 : f32
    %broadcast_in_dim3A_7 = vector.broadcast %broadcast_in_dim3A : f32 to vector<1000x64xf32>
    %concatenate3A = tpu.concatenate %add3A, %broadcast_in_dim3A_7 in 1 : vector<1000x64xf32>, vector<1000x64xf32> -> vector<1000x128xf32>
    %swap3A = arith.constant 0 : index
    %swap3A_8 = arith.constant 0 : index
    %swap3A_9 = vector.load %arg4[%swap3A, %swap3A_8] : memref<1000x128xf32, #tpu.memory_space<vmem>>, vector<1000x128xf32>
    tpu.vector_store %arg4[%swap3A, %swap3A_8], %concatenate3A {strides = array<i32>} : memref<1000x128xf32, #tpu.memory_space<vmem>>, vector<1000x128xf32>,
    return
  }
  func.func @transform_0(%arg0: i32, %arg1: memref<1xi32, #tpu.memory_space<smem>>) -> (i32, i32) {
    %c0_i32 = arith.constant 0 : i32
    %c0_i32_0 = arith.constant 0 : i32
    return %arg0, %c0_i32 : i32, i32
  }
  func.func @transform_1(%arg0: i32, %arg1: memref<1xi32, #tpu.memory_space<smem>>) -> (i32, i32, i32) {
    %get3A = arith.constant 0 : index
    %get3A_0 = memref.load %arg1[%get3A] : memref<1xi32, #tpu.memory_space<smem>>
    %c0_i32 = arith.constant 0 : i32
    %c0_i32_1 = arith.constant 0 : i32
    return %get3A_0, %arg0, %c0_i32 : i32, i32, i32
  }
  func.func @transform_2(%arg0: i32, %arg1: memref<1xi32, #tpu.memory_space<smem>>) -> (i32, i32) {
    %c0_i32 = arith.constant 0 : i32
    %c0_i32_0 = arith.constant 0 : i32
    return %arg0, %c0_i32 : i32, i32
  }
}

</mosaic_0001>

<sc_bundles>
// kernel: kernel.4.cloned.1.call-start
scs
__scs_entry_jumppad:
0x0: {  	(pc) =	sbr.rel $0x88, $3  }
0x1: {  	(tag) =	ssettag $0x0;
	lr =	simm.s32 $0x1  }
0x2: {  	[smem:$0x3F99] =	sst lr;
	_ =	strace $0xD0000000  }
0x3: {  	_ = 	snop  }
0x4: {  	_ = 	snop  }
0x5: {  	_ = 	snop  }
0x6: {  	_ = 	snop  }
0x7: {  	_ = 	snop  }
__scs_overlays_trampoline_lowered:
0x8: {  	[smem:$0x3FA8] =	sst s0  }
0x9: {  	[smem:$0x3FA9] =	sst s1  }
0xa: {  	[smem:$0x3FAA] =	sst s2  }
0xb: {  	[smem:$0x3FAB] =	sst s3  }
0xc: {  	[smem:$0x3FAC] =	sst s4  }
0xd: {  	[smem:$0x3FAD] =	sst s5  }
0xe: {  	[smem:$0x3FAE] =	sst s6  }
0xf: {  	[smem:$0x3FAF] =	sst s7  }
0x10: {  	[smem:$0x3FB0] =	sst s8  }
0x11: {  	[smem:$0x3FB1] =	sst s9;
	s0 =	simm.s32 @!p0 $0x0  }
0x12: {  	s1 =	sld [smem:$0x3F97];
	s0 =	simm.s32 @p0 $0x1  }
0x13: {  	[smem:$0x3FB2] =	sst s0;
	s0 =	simm.s32 @!p1 $0x0  }
0x14: {  	s2 =	sld [smem:$0x3F96];
	s0 =	simm.s32 @p1 $0x1  }
0x15: {  	[smem:$0x3FB3] =	sst s0;
	s0 =	simm.s32 @!p2 $0x0  }
0x16: {  	s3 =	sld [smem:$0x3FDB];
	s0 =	simm.s32 @p2 $0x1  }
0x17: {  	s4 =	simm.s32 $0x1BF5;
	[smem:$0x3FB5] =	sst s0  }
0x18: {  	s0 =	sld [smem:$0x3F98];
	_ =	swait.ge [sflag:s4], $0x0  }
0x19: {  	s7 =	sld [smem:$0x3F99]  }
0x1a: {  	s8 =	sadd.s32 $0xFFFFE003, lr  }
0x1b: {  	s9 =	sadd.s32 $0xFFFFFEF7, lr;
	s5 =	simm.s32 $0xFFFFFFFF;
	p2 =	slt.u32 s8, $0xFFFFF086  }
0x1c: {  	p1 =	slt.u32 s9, $0xF7A;
	s5 =	simm.s32 @!p2 $0x0  }
0x1d: {  	s5 =	simm.s32 @p1 $0x1;
	p0 =	seq.s32 s7, s2  }
0x1e: {  	s7 =	smul.u32 @!p0 $0xF7A, s2;
	p2 =	seq.s32 @!p0 s5, $0x0  }
0x1f: {  	s9 =	smul.u32 $0xF7A, s1;
	s8 =	simm.s32 @!p0 $0x1BF5;
	p2 =	por !p2, p0  }
0x20: {  	[sflag:s8] =	ssyncset.s32 @!p0 $0xFFFFF086;
	s6 =	sadd.s32 @!p0 s3, s7;
	s7 =	simm.s32 @!p0 $0x108  }
0x21: {  	s3 =	sadd.s32 s3, s9;
	s6 =	sadd.s32 @!p0 $0x88, s6;
	s7 =	simm.s32 @p2 $0x1082  }
0x22: {  	[simem:s7], [sflag:s8] =	dma.local @!p0 [hbm:s6], $0xF7A  }
0x23: {  	s9 =	sor.u32 $0xD0000000, s2;
	s6 =	simm.s32 $0x108;
	_ =	swait.ge @!p0 [sflag:s8], $0x0  }
0x24: {  	s3 =	sadd.s32 $0x88, s3;
	s6 =	simm.s32 @!p1 $0x1082;
	[sflag:s4] =	ssyncset.s32 $0xFFFFF086  }
0x25: {  	[simem:s6], [sflag:s4] =	dma.local [hbm:s3], $0xF7A  }
0x26: {  	[smem:$0x3F99] =	sst s1;
	(tag) =	ssettag s2;
	_ =	strace s9  }
0x27: {  	s1 =	sld [smem:$0x3FA9]  }
0x28: {  	s2 =	sld [smem:$0x3FAA]  }
0x29: {  	s4 =	sld [smem:$0x3FAC]  }
0x2a: {  	p0 =	seq.s32 s5, $0x0;
	s5 =	sld [smem:$0x3FAD]  }
0x2b: {  	s6 =	sld [smem:$0x3FAE]  }
0x2c: {  	s7 =	sld [smem:$0x3FAF]  }
0x2d: {  	s3 =	simm.s32 $0x108;
	s8 =	sld [smem:$0x3FB0]  }
0x2e: {  	s3 =	simm.s32 @!p0 $0x1082;
	s9 =	sld [smem:$0x3FB1]  }
0x2f: {  	lr =	sadd.s32 s0, s3;
	s0 =	sld [smem:$0x3FA8]  }
0x30: {  	s3 =	sld [smem:$0x3FAB]  }
0x31: {  	[smem:$0x3FB4] =	sst s10  }
0x32: {  	s10 =	sld [smem:$0x3FB2];
	_ =	sdelay $0x3  }
0x33: {  	p0 =	seq.s32 s10, $0x1;
	s10 =	sld [smem:$0x3FB4];
	_ =	sdelay $0x3  }
0x34: {  	[smem:$0x3FB4] =	sst s10  }
0x35: {  	s10 =	sld [smem:$0x3FB3];
	_ =	sdelay $0x3  }
0x36: {  	p1 =	seq.s32 s10, $0x1;
	s10 =	sld [smem:$0x3FB4];
	_ =	sdelay $0x3  }
0x37: {  	[smem:$0x3FB4] =	sst s10  }
0x38: {  	s10 =	sld [smem:$0x3FB5]  }
0x39: {  	_ = 	snop;
	(pc) =	sbr.ind lr, $3  }
0x3a: {  	_ = 	snop  }
0x3b: {  	_ = 	snop  }
0x3c: {  	p2 =	seq.s32 s10, $0x1;
	s10 =	sld [smem:$0x3FB4]  }
0x3d: {  	_ =	shalt  }
0x3e: {  	_ =	shalt  }
0x3f: {  	_ =	shalt  }
0x40: {  	_ =	shalt  }
0x41: {  	_ =	shalt  }
0x42: {  	_ =	shalt  }
0x43: {  	_ =	shalt  }
0x44: {  	_ =	shalt  }
0x45: {  	_ =	shalt  }
0x46: {  	_ =	shalt  }
0x47: {  	_ =	shalt  }
0x48: {  	_ =	shalt  }
0x49: {  	_ =	shalt  }
0x4a: {  	_ =	shalt  }
0x4b: {  	_ =	shalt  }
0x4c: {  	_ =	shalt  }
0x4d: {  	_ =	shalt  }
0x4e: {  	_ =	shalt  }
0x4f: {  	_ =	shalt  }
0x50: {  	_ =	shalt  }
0x51: {  	_ =	shalt  }
0x52: {  	_ =	shalt  }
0x53: {  	_ =	shalt  }
0x54: {  	_ =	shalt  }
0x55: {  	_ =	shalt  }
0x56: {  	_ =	shalt  }
0x57: {  	_ =	shalt  }
0x58: {  	_ =	shalt  }
0x59: {  	_ =	shalt  }
0x5a: {  	_ =	shalt  }
0x5b: {  	_ =	shalt  }
0x5c: {  	_ =	shalt  }
0x5d: {  	_ =	shalt  }
0x5e: {  	_ =	shalt  }
0x5f: {  	_ =	shalt  }
0x60: {  	_ =	shalt  }
0x61: {  	_ =	shalt  }
0x62: {  	_ =	shalt  }
0x63: {  	_ =	shalt  }
0x64: {  	_ =	shalt  }
0x65: {  	_ =	shalt  }
0x66: {  	_ =	shalt  }
0x67: {  	_ =	shalt  }
0x68: {  	_ =	shalt  }
0x69: {  	_ =	shalt  }
0x6a: {  	_ =	shalt  }
0x6b: {  	_ =	shalt  }
0x6c: {  	_ =	shalt  }
0x6d: {  	_ =	shalt  }
0x6e: {  	_ =	shalt  }
0x6f: {  	_ =	shalt  }
0x70: {  	_ =	shalt  }
0x71: {  	_ =	shalt  }
0x72: {  	_ =	shalt  }
0x73: {  	_ =	shalt  }
0x74: {  	_ =	shalt  }
0x75: {  	_ =	shalt  }
0x76: {  	_ =	shalt  }
0x77: {  	_ =	shalt  }
0x78: {  	_ =	shalt  }
0x79: {  	_ =	shalt  }
0x7a: {  	_ =	shalt  }
0x7b: {  	_ =	shalt  }
0x7c: {  	_ =	shalt  }
0x7d: {  	_ =	shalt  }
0x7e: {  	_ =	shalt  }
0x7f: {  	_ =	shalt  }
0x80: {  	_ =	shalt  }
0x81: {  	_ =	shalt  }
0x82: {  	_ =	shalt  }
0x83: {  	_ =	shalt  }
0x84: {  	_ =	shalt  }
0x85: {  	_ =	shalt  }
0x86: {  	_ =	shalt  }
0x87: {  	_ =	shalt  }
.Lfunc_end0:
.L_simem_size_0:
called_computation.1_lowered:
.L_overlay_start_0:
0x88: {  	s2 =	sld [smem:$0x3FD9]  }
0x89: {  	s3 =	sld [smem:$0x3FFE];
	_ =	sdelay $0x1  }
0x8a: {  	s1 =	srdreg.scid  }
0x8b: {  	s0 =	sand.u32 $0x1, s1  }
0x8c: {  	s16 =	sshll.u32 s0, $0xA;
	s2 =	sadd.s32 s3, s2  }
0x8d: {  	s2 =	sadd.s32 s2, s16  }
0x8e: {  	[smem:$0x3FC0] =	sst s2  }
0x8f: {  	_ = 	snop  }
0x90: {  	(tm) =	ssettm $0x1  }
0x91: {  	s17 =	sld [smem:$0x3FFB];
	_ =	sdelay $0x3  }
0x92: {  	_ =	strace s17  }
0x93: {  	s2 =	sld [smem:$0x3FFC];
	_ =	sdelay $0x3  }
0x94: {  	_ =	strace s2  }
0x95: {  	s2 =	sld [smem:$0x3FFD];
	_ =	sdelay $0x3  }
0x96: {  	_ =	strace s2  }
0x97: {  	_ =	strace $0x8FFFFFFF  }
0x98: {  	s18 =	sld [smem:$0x3FDB];
	_ =	sdelay $0x1  }
0x99: {  	s19 =	simm.s32 $_scs_section_size  }
0x9a: {  	s4 =	simm.s32 $_size__tile_overlayer_lowered;
	s5 =	simm.s32 $_tile_overlayer_lowered  }
0x9b: {  	s22 =	simm.s32 $0x1BFF;
	s21 =	sshll.u32 s5, $0x1;
	s2 =	sadd.s32 s19, s18  }
0x9c: {  	s6 =	simm.s32 $0x0;
	s20 =	sshll.u32 s4, $0x1;
	s4 =	sadd.s32 s21, s2  }
0x9d: {  	[timem:s6], [sflag:s22] =	dma.local [hbm:s4], s20  }
0x9e: {  	_ =	swait.ge [sflag:s22], s20  }
0x9f: {  	s3 =	ssub.s32 $0x0, s20;
	[sflag:s22] =	ssyncset.done $0x0  }
0xa0: {  	[sflag:s22] =	ssyncadd.s32 s3;
	_ =	sdelay $0x1  }
0xa1: {  	s23 =	simm.s32 $0x1B8B  }
0xa2: {  	_ =	swait.ge [sflag:s23], $0x1  }
0xa3: {  	[sflag:s23] =	ssyncset.done $0x0  }
0xa4: {  	s25 =	simm.s32 $0x1B8E;
	s24 =	sld [smem:$0x3FFE];
	[sflag:s23] =	ssyncadd.s32 $0xFFFFFFFF  }
0xa5: {  	s26 =	simm.s32 $execute0_lowered;
	[smem:$0x3FD2] =	sst s25  }
0xa6: {  	s4 =	sshll.u32 s26, $0x1;
	_ =	strace $0x80000046;
	[dreg:$0x1] =	wrdreg $0xFFFFFFFF  }
0xa7: {  	s28 =	simm.s32 $_size_execute0_lowered;
	s2 =	sadd.s32 s2, s4;
	[dreg:$0x0] =	wrdreg $0x0  }
0xa8: {  	s4 =	sshll.u32 s28, $0x1;
	[dreg:$0x2] =	wrdreg s2  }
0xa9: {  	[dreg:$0x3] =	wrdreg s4  }
0xaa: {  	[dreg:$0x4] =	wrdreg $0xC0  }
0xab: {  	_ =	task [dreg:s6], $0x5FFFF  }
0xac: {  	[dreg:$0x1] =	wrdreg $0xFFFFFFFF  }
0xad: {  	[dreg:$0x0] =	wrdreg $0x60  }
0xae: {  	[dreg:$0x2] =	wrdreg s24  }
0xaf: {  	[dreg:$0x3] =	wrdreg $0x9  }
0xb0: {  	_ =	task.clear_ibuf [dreg:s6], $0x4FFFF;
	_ =	strace $0x90000046  }
0xb1: {  	s29 =	simm.s32 $0x9;
	_ =	strace $0x80000048  }
0xb2: {  	_ =	swait.ge [sflag:s29], $0x1  }
0xb3: {  	[sflag:s29] =	ssyncadd.s32 $0xFFFFFFFF  }
0xb4: {  	_ =	strace $0x90000048  }
0xb5: {  	_ =	sfence  }
0xb6: {  	s30 =	sld [smem:$0x0];
	_ =	sdelay $0x2  }
0xb7: {  	s31 =	sshll.u32 s1, $0xD;
	s1 =	sshrl.u32 s1, $0x2  }
0xb8: {  	s3 =	sand.u32 $0x4000, s31;
	s1 =	sadd.s32 s1, s30  }
0xb9: {  	s0 =	sor.u32 s3, s0;
	s1 =	sshll.u32 s1, $0x11  }
0xba: {  	s0 =	sor.u32 s1, s0  }
0xbb: {  	s0 =	sadd.s32 $0x8F2B, s0  }
0xbc: {  	[sflag:s0] =	ssyncadd.remote.s32 $0x1  }
0xbd: {  	_ =	sfence.sel $0xFFFF  }
0xbe: {  	[dreg:$0x0] =	wrdreg $0xFFFFFFFF;
	(pc) =	sbr.abs _section_cstart, $3  }
0xbf: {  	[dreg:$0x1] =	wrdreg $0xFFFFFFFF  }
0xc0: {  	_ =	task.clear_ibuf [dreg:s6], $0x2FFFF;
	_ =	strace $0x9FFFFFFF  }
0xc1: {  	(tm) =	ssettm $0x7FFFFFFF  }
tec
execute0_lowered:
.L_overlay_start_1:
0x0: {  	(tag) =	ssettag $0x1  }
0x1: {  	s9 =	rddreg [dreg:$0x0]  }
0x2: {  	s0 =	rddreg [dreg:$0x1];
	s1 =	simm.s32 $0x0;
	s3 =	srdreg.scid  }
0x3: {  	s14 =	simm.s32 $0x11380;
	s15 =	simm.s32 $0x80;
	s16 =	simm.s32 $0x300  }
0x4: {  	s17 =	simm.s32 $0x4300;
	s18 =	simm.s32 $0x1;
	s19 =	simm.s32 $0x8300  }
0x5: {  	s20 =	simm.s32 $0x0;
	[smem:$0x7FF] =	sst s1;
	s2 =	sadd.s32 $0x1D2E00, s9  }
0x6: {  	s4 =	sadd.s32 $0x1000, s9;
	s5 =	sadd.s32 $0xE00, s9;
	s10 =	sand.u32 $0x1, s3  }
0x7: {  	s6 =	sadd.s32 $0x1400, s9;
	s3 =	stileid.u32;
	s7 =	sadd.s32 $0x1A400, s9  }
0x8: {  	s8 =	sadd.s32 $0x33400, s9;
	s9 =	sadd.s32 $0x359800, s9;
	s11 =	ssub.s32 $0x2, s10  }
0x9: {  	_ =	strace $0x80000047;
	s13 =	sshll.u32 s3, $0x1;
	s12 =	sshrl.u32 s11, $0x1  }
0xa: {  	v0 =	vlaneseq.u32;
	s10 =	sor.u32 s10, s13;
	s13 =	simm.s32 $0x2;
	s11 =	ssub.s32 s11, s12  }
0xb: {  	v0 =	vmul.u32 $0x80, v0;
	s10 =	smul.u32 $0x6400, s10;
	s12 =	simm.s32 $0x10300;
	s11 =	smax.u32 s11, $0x1  }
.LBB2_1:
0xc: {  	[tilespmem:s12], [sflag:$0x2] =	stream.linear.gather [hbm4b:s4+s1], $0x1080, $0x38;
	[tilespmem:$0x11500] =	vst v63  }
0xd: {  	_ =	swait.ge [sflag:s13], $0x1080  }
0xe: {  	[sflag:s13] =	ssyncset.done $0x0  }
0xf: {  	[sflag:s13] =	ssyncadd.s32 $0xFFFFEF80  }
0x10: {  	[tilespmem:s14], [sflag:$0x2] =	stream.linear.gather [hbm4b:s5+s1], $0x180, $0x38;
	[tilespmem:$0x11500] =	vst v63  }
0x11: {  	_ =	swait.ge [sflag:s13], $0x180  }
0x12: {  	[sflag:s13] =	ssyncset.done $0x0  }
0x13: {  	s21 =	simm.s32 $0x0;
	[sflag:s13] =	ssyncadd.s32 $0xFFFFFE80  }
.LBB2_2:
0x14: {  	s22 =	sshll.u32 s21, $0x8  }
0x15: {  	s22 =	sadd.s32 s10, s22  }
0x16: {  	s25 =	sshrl.u32 s22, $0x3  }
0x17: {  	s23 =	simm.s32 $0x0;
	s24 =	sadd.s32 s6, s25  }
0x18: {  	[tilespmem:s23], [sflag:$0x2] =	stream.linear.gather [hbm4b:s24+s23], $0x100, $0x38;
	[tilespmem:$0x11500] =	vst v63  }
0x19: {  	_ =	swait.ge [sflag:s13], $0x100  }
0x1a: {  	[sflag:s13] =	ssyncset.done $0x0  }
0x1b: {  	s26 =	sadd.s32 s7, s25;
	s24 =	simm.s32 $0x100;
	[sflag:s13] =	ssyncadd.s32 $0xFFFFFF00  }
0x1c: {  	[tilespmem:s24], [sflag:$0x2] =	stream.linear.gather [hbm4b:s26+s23], $0x100, $0x38;
	[tilespmem:$0x11500] =	vst v63  }
0x1d: {  	_ =	swait.ge [sflag:s13], $0x100  }
0x1e: {  	[sflag:s13] =	ssyncset.done $0x0  }
0x1f: {  	s31 =	sadd.s32 s8, s25;
	s25 =	simm.s32 $0x200;
	[sflag:s13] =	ssyncadd.s32 $0xFFFFFF00  }
0x20: {  	[tilespmem:s25], [sflag:$0x2] =	stream.linear.gather [hbm4b:s31+s23], $0x100, $0x38;
	[tilespmem:$0x11500] =	vst v63  }
0x21: {  	_ =	swait.ge [sflag:s13], $0x100  }
0x22: {  	[sflag:s13] =	ssyncset.done $0x0  }
0x23: {  	[sflag:s13] =	ssyncadd.s32 $0xFFFFFF00  }
0x24: {  	[tilespmem:s16], [sflag:$0x1] =	stream.indirect.gather [hbm4b:s2+s15], $0x80, s23, s15, $0xb8;
	[tilespmem:$0x11500] =	vst v63  }
0x25: {  	_ = 	snop  }
0x26: {  	[tilespmem:s17], [sflag:$0x1] =	stream.indirect.gather [hbm4b:s2+s15], $0x80, s15, s15, $0xb8;
	[tilespmem:$0x11500] =	vst v63  }
0x27: {  	_ =	swait.ge [sflag:s18], $0x4000  }
0x28: {  	[sflag:s18] =	ssyncset.done $0x0  }
0x29: {  	[sflag:s18] =	ssyncadd.s32 $0xFFFFC000  }
0x2a: {  	_ =	swait.ge [sflag:s18], $0x4000  }
0x2b: {  	[sflag:s18] =	ssyncset.done $0x0  }
0x2c: {  	s28 =	simm.s32 $0x8700;
	s26 =	simm.s32 $0x700;
	[sflag:s18] =	ssyncadd.s32 $0xFFFFC000  }
.LBB2_3:
0x2d: {  	v1 =	vld [tilespmem:s24+$0x0];
	_ =	sdelay $0x4  }
0x2e: {  	v1 =	vshll.u32 v1, $0x4  }
0x2f: {  	v2 =	vld [tilespmem:s25+$0x0]  }
0x30: {  	v3 =	vmov s23  }
0x31: {  	v3 =	vshll.u32 v3, $0x7  }
0x32: {  	v3 =	vor.u32 v0, v3  }
0x33: {  	v5 =	vor.u32 $0x40, v3;
	v4 =	vld.idx.msk [tilespmem:v1+s12+$0x0], $0xffff  }
0x34: {  	v2 =	vshll.u32 v2, $0x4;
	_ =	sdelay $0x3  }
0x35: {  	[tilespmem:v5+s19+$0x0] =	vst.idx.msk $0xffff, v4  }
0x36: {  	v62 =	vor.u32 $0x50, v3;
	v4 =	vld.idx.msk [tilespmem:v2+s14+$0x0], $0xffff  }
0x37: {  	v6 =	vor.u32 $0x1, v1;
	_ =	sdelay $0x3  }
0x38: {  	[tilespmem:v62+s19+$0x0] =	vst.idx.msk $0xffff, v4  }
0x39: {  	v63 =	vor.u32 $0x41, v3;
	v4 =	vld.idx.msk [tilespmem:v6+s12+$0x0], $0xffff  }
0x3a: {  	v9 =	vor.u32 $0x1, v2;
	_ =	sdelay $0x3  }
0x3b: {  	[tilespmem:v63+s19+$0x0] =	vst.idx.msk $0xffff, v4  }
0x3c: {  	v10 =	vor.u32 $0x51, v3;
	v4 =	vld.idx.msk [tilespmem:v9+s14+$0x0], $0xffff  }
0x3d: {  	v11 =	vor.u32 $0x2, v1;
	_ =	sdelay $0x3  }
0x3e: {  	[tilespmem:v10+s19+$0x0] =	vst.idx.msk $0xffff, v4  }
0x3f: {  	v12 =	vor.u32 $0x42, v3;
	v4 =	vld.idx.msk [tilespmem:v11+s12+$0x0], $0xffff  }
0x40: {  	v13 =	vor.u32 $0x2, v2;
	_ =	sdelay $0x3  }
0x41: {  	[tilespmem:v12+s19+$0x0] =	vst.idx.msk $0xffff, v4  }
0x42: {  	v14 =	vor.u32 $0x52, v3;
	v4 =	vld.idx.msk [tilespmem:v13+s14+$0x0], $0xffff  }
0x43: {  	v15 =	vor.u32 $0x3, v1;
	_ =	sdelay $0x3  }
0x44: {  	[tilespmem:v14+s19+$0x0] =	vst.idx.msk $0xffff, v4  }
0x45: {  	v16 =	vor.u32 $0x43, v3;
	v4 =	vld.idx.msk [tilespmem:v15+s12+$0x0], $0xffff  }
0x46: {  	v17 =	vor.u32 $0x3, v2;
	_ =	sdelay $0x3  }
0x47: {  	[tilespmem:v16+s19+$0x0] =	vst.idx.msk $0xffff, v4  }
0x48: {  	v18 =	vor.u32 $0x53, v3;
	v4 =	vld.idx.msk [tilespmem:v17+s14+$0x0], $0xffff  }
0x49: {  	v19 =	vor.u32 $0x4, v1;
	_ =	sdelay $0x3  }
0x4a: {  	[tilespmem:v18+s19+$0x0] =	vst.idx.msk $0xffff, v4  }
0x4b: {  	v20 =	vor.u32 $0x44, v3;
	v4 =	vld.idx.msk [tilespmem:v19+s12+$0x0], $0xffff  }
0x4c: {  	v21 =	vor.u32 $0x4, v2;
	_ =	sdelay $0x3  }
0x4d: {  	[tilespmem:v20+s19+$0x0] =	vst.idx.msk $0xffff, v4  }
0x4e: {  	v22 =	vor.u32 $0x54, v3;
	v4 =	vld.idx.msk [tilespmem:v21+s14+$0x0], $0xffff  }
0x4f: {  	v23 =	vor.u32 $0x5, v1;
	_ =	sdelay $0x3  }
0x50: {  	[tilespmem:v22+s19+$0x0] =	vst.idx.msk $0xffff, v4  }
0x51: {  	v24 =	vor.u32 $0x45, v3;
	v4 =	vld.idx.msk [tilespmem:v23+s12+$0x0], $0xffff  }
0x52: {  	v25 =	vor.u32 $0x5, v2;
	_ =	sdelay $0x3  }
0x53: {  	[tilespmem:v24+s19+$0x0] =	vst.idx.msk $0xffff, v4  }
0x54: {  	v26 =	vor.u32 $0x55, v3;
	v4 =	vld.idx.msk [tilespmem:v25+s14+$0x0], $0xffff  }
0x55: {  	v27 =	vor.u32 $0x6, v1;
	_ =	sdelay $0x3  }
0x56: {  	[tilespmem:v26+s19+$0x0] =	vst.idx.msk $0xffff, v4  }
0x57: {  	v28 =	vor.u32 $0x46, v3;
	v4 =	vld.idx.msk [tilespmem:v27+s12+$0x0], $0xffff  }
0x58: {  	v29 =	vor.u32 $0x6, v2;
	_ =	sdelay $0x3  }
0x59: {  	[tilespmem:v28+s19+$0x0] =	vst.idx.msk $0xffff, v4  }
0x5a: {  	v30 =	vor.u32 $0x56, v3;
	v4 =	vld.idx.msk [tilespmem:v29+s14+$0x0], $0xffff  }
0x5b: {  	v31 =	vor.u32 $0x7, v1;
	_ =	sdelay $0x3  }
0x5c: {  	[tilespmem:v30+s19+$0x0] =	vst.idx.msk $0xffff, v4  }
0x5d: {  	v32 =	vor.u32 $0x47, v3;
	v4 =	vld.idx.msk [tilespmem:v31+s12+$0x0], $0xffff  }
0x5e: {  	v33 =	vor.u32 $0x7, v2;
	_ =	sdelay $0x3  }
0x5f: {  	[tilespmem:v32+s19+$0x0] =	vst.idx.msk $0xffff, v4  }
0x60: {  	v34 =	vor.u32 $0x57, v3;
	v4 =	vld.idx.msk [tilespmem:v33+s14+$0x0], $0xffff  }
0x61: {  	v35 =	vor.u32 $0x8, v1;
	_ =	sdelay $0x3  }
0x62: {  	[tilespmem:v34+s19+$0x0] =	vst.idx.msk $0xffff, v4  }
0x63: {  	v36 =	vor.u32 $0x48, v3;
	v4 =	vld.idx.msk [tilespmem:v35+s12+$0x0], $0xffff  }
0x64: {  	v37 =	vor.u32 $0x8, v2;
	_ =	sdelay $0x3  }
0x65: {  	[tilespmem:v36+s19+$0x0] =	vst.idx.msk $0xffff, v4  }
0x66: {  	v38 =	vor.u32 $0x58, v3;
	v4 =	vld.idx.msk [tilespmem:v37+s14+$0x0], $0xffff  }
0x67: {  	v39 =	vor.u32 $0x9, v1;
	_ =	sdelay $0x3  }
0x68: {  	[tilespmem:v38+s19+$0x0] =	vst.idx.msk $0xffff, v4  }
0x69: {  	v40 =	vor.u32 $0x49, v3;
	v4 =	vld.idx.msk [tilespmem:v39+s12+$0x0], $0xffff  }
0x6a: {  	v41 =	vor.u32 $0x9, v2;
	_ =	sdelay $0x3  }
0x6b: {  	[tilespmem:v40+s19+$0x0] =	vst.idx.msk $0xffff, v4  }
0x6c: {  	v42 =	vor.u32 $0x59, v3;
	v4 =	vld.idx.msk [tilespmem:v41+s14+$0x0], $0xffff  }
0x6d: {  	v43 =	vor.u32 $0xA, v1;
	_ =	sdelay $0x3  }
0x6e: {  	[tilespmem:v42+s19+$0x0] =	vst.idx.msk $0xffff, v4  }
0x6f: {  	v44 =	vor.u32 $0x4A, v3;
	v4 =	vld.idx.msk [tilespmem:v43+s12+$0x0], $0xffff  }
0x70: {  	v45 =	vor.u32 $0xA, v2;
	_ =	sdelay $0x3  }
0x71: {  	[tilespmem:v44+s19+$0x0] =	vst.idx.msk $0xffff, v4  }
0x72: {  	v46 =	vor.u32 $0x5A, v3;
	v4 =	vld.idx.msk [tilespmem:v45+s14+$0x0], $0xffff  }
0x73: {  	v47 =	vor.u32 $0xB, v1;
	_ =	sdelay $0x3  }
0x74: {  	[tilespmem:v46+s19+$0x0] =	vst.idx.msk $0xffff, v4  }
0x75: {  	v48 =	vor.u32 $0x4B, v3;
	v4 =	vld.idx.msk [tilespmem:v47+s12+$0x0], $0xffff  }
0x76: {  	v49 =	vor.u32 $0xB, v2;
	_ =	sdelay $0x3  }
0x77: {  	[tilespmem:v48+s19+$0x0] =	vst.idx.msk $0xffff, v4  }
0x78: {  	v50 =	vor.u32 $0x5B, v3;
	v4 =	vld.idx.msk [tilespmem:v49+s14+$0x0], $0xffff  }
0x79: {  	v51 =	vor.u32 $0xC, v1;
	_ =	sdelay $0x3  }
0x7a: {  	[tilespmem:v50+s19+$0x0] =	vst.idx.msk $0xffff, v4  }
0x7b: {  	v52 =	vor.u32 $0x4C, v3;
	v4 =	vld.idx.msk [tilespmem:v51+s12+$0x0], $0xffff  }
0x7c: {  	v53 =	vor.u32 $0xC, v2;
	_ =	sdelay $0x3  }
0x7d: {  	[tilespmem:v52+s19+$0x0] =	vst.idx.msk $0xffff, v4  }
0x7e: {  	v54 =	vor.u32 $0x5C, v3;
	v4 =	vld.idx.msk [tilespmem:v53+s14+$0x0], $0xffff  }
0x7f: {  	v55 =	vor.u32 $0xD, v1;
	_ =	sdelay $0x3  }
0x80: {  	[tilespmem:v54+s19+$0x0] =	vst.idx.msk $0xffff, v4  }
0x81: {  	v56 =	vor.u32 $0x4D, v3;
	v4 =	vld.idx.msk [tilespmem:v55+s12+$0x0], $0xffff  }
0x82: {  	v57 =	vor.u32 $0xD, v2;
	_ =	sdelay $0x3  }
0x83: {  	[tilespmem:v56+s19+$0x0] =	vst.idx.msk $0xffff, v4  }
0x84: {  	v58 =	vor.u32 $0x5D, v3;
	v4 =	vld.idx.msk [tilespmem:v57+s14+$0x0], $0xffff  }
0x85: {  	v59 =	vor.u32 $0xE, v1;
	_ =	sdelay $0x3  }
0x86: {  	[tilespmem:v58+s19+$0x0] =	vst.idx.msk $0xffff, v4  }
0x87: {  	v60 =	vor.u32 $0x4E, v3;
	v4 =	vld.idx.msk [tilespmem:v59+s12+$0x0], $0xffff  }
0x88: {  	v61 =	vor.u32 $0xE, v2;
	_ =	sdelay $0x3  }
0x89: {  	[tilespmem:v60+s19+$0x0] =	vst.idx.msk $0xffff, v4  }
0x8a: {  	v62 =	vor.u32 $0x5E, v3;
	v4 =	vld.idx.msk [tilespmem:v61+s14+$0x0], $0xffff  }
0x8b: {  	v1 =	vor.u32 $0xF, v1;
	_ =	sdelay $0x3  }
0x8c: {  	[tilespmem:v62+s19+$0x0] =	vst.idx.msk $0xffff, v4  }
0x8d: {  	v63 =	vor.u32 $0x4F, v3;
	v1 =	vld.idx.msk [tilespmem:v1+s12+$0x0], $0xffff  }
0x8e: {  	v2 =	vor.u32 $0xF, v2;
	_ =	sdelay $0x3  }
0x8f: {  	[tilespmem:v63+s19+$0x0] =	vst.idx.msk $0xffff, v1  }
0x90: {  	v1 =	vld.idx.msk [tilespmem:v2+s14+$0x0], $0xffff;
	v2 =	vor.u32 $0x5F, v3;
	_ =	sdelay $0x4  }
0x91: {  	[tilespmem:v2+s19+$0x0] =	vst.idx.msk $0xffff, v1  }
0x92: {  	v1 =	vld [tilespmem:s26+$0xFFFFFC00];
	_ =	sdelay $0x4  }
0x93: {  	[tilespmem:s28+$0xFFFFFC00] =	vst v1  }
0x94: {  	v1 =	vld [tilespmem:s26+$0xFFFFFC10];
	_ =	sdelay $0x4  }
0x95: {  	[tilespmem:s28+$0xFFFFFC10] =	vst v1  }
0x96: {  	v1 =	vld [tilespmem:s26+$0xFFFFFC20];
	_ =	sdelay $0x4  }
0x97: {  	[tilespmem:s28+$0xFFFFFC20] =	vst v1  }
0x98: {  	v1 =	vld [tilespmem:s26+$0xFFFFFC30];
	_ =	sdelay $0x4  }
0x99: {  	[tilespmem:s28+$0xFFFFFC30] =	vst v1  }
0x9a: {  	v1 =	vld [tilespmem:s26+$0xFFFFFC80];
	_ =	sdelay $0x4  }
0x9b: {  	[tilespmem:s28+$0xFFFFFC80] =	vst v1  }
0x9c: {  	v1 =	vld [tilespmem:s26+$0xFFFFFC90];
	_ =	sdelay $0x4  }
0x9d: {  	[tilespmem:s28+$0xFFFFFC90] =	vst v1  }
0x9e: {  	v1 =	vld [tilespmem:s26+$0xFFFFFCA0];
	_ =	sdelay $0x4  }
0x9f: {  	[tilespmem:s28+$0xFFFFFCA0] =	vst v1  }
0xa0: {  	v1 =	vld [tilespmem:s26+$0xFFFFFCB0];
	_ =	sdelay $0x4  }
0xa1: {  	[tilespmem:s28+$0xFFFFFCB0] =	vst v1  }
0xa2: {  	v1 =	vld [tilespmem:s26+$0xFFFFFD00];
	_ =	sdelay $0x4  }
0xa3: {  	[tilespmem:s28+$0xFFFFFD00] =	vst v1  }
0xa4: {  	v1 =	vld [tilespmem:s26+$0xFFFFFD10];
	_ =	sdelay $0x4  }
0xa5: {  	[tilespmem:s28+$0xFFFFFD10] =	vst v1  }
0xa6: {  	v1 =	vld [tilespmem:s26+$0xFFFFFD20];
	_ =	sdelay $0x4  }
0xa7: {  	[tilespmem:s28+$0xFFFFFD20] =	vst v1  }
0xa8: {  	v1 =	vld [tilespmem:s26+$0xFFFFFD30];
	_ =	sdelay $0x4  }
0xa9: {  	[tilespmem:s28+$0xFFFFFD30] =	vst v1  }
0xaa: {  	v1 =	vld [tilespmem:s26+$0xFFFFFD80];
	_ =	sdelay $0x4  }
0xab: {  	[tilespmem:s28+$0xFFFFFD80] =	vst v1  }
0xac: {  	v1 =	vld [tilespmem:s26+$0xFFFFFD90];
	_ =	sdelay $0x4  }
0xad: {  	[tilespmem:s28+$0xFFFFFD90] =	vst v1  }
0xae: {  	v1 =	vld [tilespmem:s26+$0xFFFFFDA0];
	_ =	sdelay $0x4  }
0xaf: {  	[tilespmem:s28+$0xFFFFFDA0] =	vst v1  }
0xb0: {  	v1 =	vld [tilespmem:s26+$0xFFFFFDB0];
	_ =	sdelay $0x4  }
0xb1: {  	[tilespmem:s28+$0xFFFFFDB0] =	vst v1  }
0xb2: {  	v1 =	vld [tilespmem:s26+$0xFFFFFE00];
	_ =	sdelay $0x4  }
0xb3: {  	[tilespmem:s28+$0xFFFFFE00] =	vst v1  }
0xb4: {  	v1 =	vld [tilespmem:s26+$0xFFFFFE10];
	_ =	sdelay $0x4  }
0xb5: {  	[tilespmem:s28+$0xFFFFFE10] =	vst v1  }
0xb6: {  	v1 =	vld [tilespmem:s26+$0xFFFFFE20];
	_ =	sdelay $0x4  }
0xb7: {  	[tilespmem:s28+$0xFFFFFE20] =	vst v1  }
0xb8: {  	v1 =	vld [tilespmem:s26+$0xFFFFFE30];
	_ =	sdelay $0x4  }
0xb9: {  	[tilespmem:s28+$0xFFFFFE30] =	vst v1  }
0xba: {  	v1 =	vld [tilespmem:s26+$0xFFFFFE80];
	_ =	sdelay $0x4  }
0xbb: {  	[tilespmem:s28+$0xFFFFFE80] =	vst v1  }
0xbc: {  	v1 =	vld [tilespmem:s26+$0xFFFFFE90];
	_ =	sdelay $0x4  }
0xbd: {  	[tilespmem:s28+$0xFFFFFE90] =	vst v1  }
0xbe: {  	v1 =	vld [tilespmem:s26+$0xFFFFFEA0];
	_ =	sdelay $0x4  }
0xbf: {  	[tilespmem:s28+$0xFFFFFEA0] =	vst v1  }
0xc0: {  	v1 =	vld [tilespmem:s26+$0xFFFFFEB0];
	_ =	sdelay $0x4  }
0xc1: {  	[tilespmem:s28+$0xFFFFFEB0] =	vst v1  }
0xc2: {  	v1 =	vld [tilespmem:s26+$0xFFFFFF00];
	_ =	sdelay $0x4  }
0xc3: {  	[tilespmem:s28+$0xFFFFFF00] =	vst v1  }
0xc4: {  	v1 =	vld [tilespmem:s26+$0xFFFFFF10];
	_ =	sdelay $0x4  }
0xc5: {  	[tilespmem:s28+$0xFFFFFF10] =	vst v1  }
0xc6: {  	v1 =	vld [tilespmem:s26+$0xFFFFFF20];
	_ =	sdelay $0x4  }
0xc7: {  	[tilespmem:s28+$0xFFFFFF20] =	vst v1  }
0xc8: {  	v1 =	vld [tilespmem:s26+$0xFFFFFF30];
	_ =	sdelay $0x4  }
0xc9: {  	[tilespmem:s28+$0xFFFFFF30] =	vst v1  }
0xca: {  	v1 =	vld [tilespmem:s26+$0xFFFFFF80];
	_ =	sdelay $0x4  }
0xcb: {  	[tilespmem:s28+$0xFFFFFF80] =	vst v1  }
0xcc: {  	v1 =	vld [tilespmem:s26+$0xFFFFFF90];
	_ =	sdelay $0x4  }
0xcd: {  	[tilespmem:s28+$0xFFFFFF90] =	vst v1  }
0xce: {  	v1 =	vld [tilespmem:s26+$0xFFFFFFA0];
	_ =	sdelay $0x4  }
0xcf: {  	[tilespmem:s28+$0xFFFFFFA0] =	vst v1  }
0xd0: {  	v1 =	vld [tilespmem:s26+$0xFFFFFFB0];
	_ =	sdelay $0x4  }
0xd1: {  	[tilespmem:s28+$0xFFFFFFB0] =	vst v1  }
0xd2: {  	v1 =	vld [tilespmem:s26+$0x0];
	_ =	sdelay $0x4  }
0xd3: {  	[tilespmem:s28+$0x0] =	vst v1  }
0xd4: {  	v1 =	vld [tilespmem:s26+$0x10];
	_ =	sdelay $0x4  }
0xd5: {  	[tilespmem:s28+$0x10] =	vst v1  }
0xd6: {  	v1 =	vld [tilespmem:s26+$0x20];
	_ =	sdelay $0x4  }
0xd7: {  	[tilespmem:s28+$0x20] =	vst v1  }
0xd8: {  	v1 =	vld [tilespmem:s26+$0x30];
	_ =	sdelay $0x4  }
0xd9: {  	[tilespmem:s28+$0x30] =	vst v1  }
0xda: {  	v1 =	vld [tilespmem:s26+$0x80];
	_ =	sdelay $0x4  }
0xdb: {  	[tilespmem:s28+$0x80] =	vst v1  }
0xdc: {  	v1 =	vld [tilespmem:s26+$0x90];
	_ =	sdelay $0x4  }
0xdd: {  	[tilespmem:s28+$0x90] =	vst v1  }
0xde: {  	v1 =	vld [tilespmem:s26+$0xA0];
	_ =	sdelay $0x4  }
0xdf: {  	[tilespmem:s28+$0xA0] =	vst v1  }
0xe0: {  	v1 =	vld [tilespmem:s26+$0xB0];
	_ =	sdelay $0x4  }
0xe1: {  	[tilespmem:s28+$0xB0] =	vst v1  }
0xe2: {  	v1 =	vld [tilespmem:s26+$0x100];
	_ =	sdelay $0x4  }
0xe3: {  	[tilespmem:s28+$0x100] =	vst v1  }
0xe4: {  	v1 =	vld [tilespmem:s26+$0x110];
	_ =	sdelay $0x4  }
0xe5: {  	[tilespmem:s28+$0x110] =	vst v1  }
0xe6: {  	v1 =	vld [tilespmem:s26+$0x120];
	_ =	sdelay $0x4  }
0xe7: {  	[tilespmem:s28+$0x120] =	vst v1  }
0xe8: {  	v1 =	vld [tilespmem:s26+$0x130];
	_ =	sdelay $0x4  }
0xe9: {  	[tilespmem:s28+$0x130] =	vst v1  }
0xea: {  	v1 =	vld [tilespmem:s26+$0x180];
	_ =	sdelay $0x4  }
0xeb: {  	[tilespmem:s28+$0x180] =	vst v1  }
0xec: {  	v1 =	vld [tilespmem:s26+$0x190];
	_ =	sdelay $0x4  }
0xed: {  	[tilespmem:s28+$0x190] =	vst v1  }
0xee: {  	v1 =	vld [tilespmem:s26+$0x1A0];
	_ =	sdelay $0x4  }
0xef: {  	[tilespmem:s28+$0x1A0] =	vst v1  }
0xf0: {  	v1 =	vld [tilespmem:s26+$0x1B0];
	_ =	sdelay $0x4  }
0xf1: {  	[tilespmem:s28+$0x1B0] =	vst v1  }
0xf2: {  	v1 =	vld [tilespmem:s26+$0x200];
	_ =	sdelay $0x4  }
0xf3: {  	[tilespmem:s28+$0x200] =	vst v1  }
0xf4: {  	v1 =	vld [tilespmem:s26+$0x210];
	_ =	sdelay $0x4  }
0xf5: {  	[tilespmem:s28+$0x210] =	vst v1  }
0xf6: {  	v1 =	vld [tilespmem:s26+$0x220];
	_ =	sdelay $0x4  }
0xf7: {  	[tilespmem:s28+$0x220] =	vst v1  }
0xf8: {  	v1 =	vld [tilespmem:s26+$0x230];
	_ =	sdelay $0x4  }
0xf9: {  	[tilespmem:s28+$0x230] =	vst v1  }
0xfa: {  	v1 =	vld [tilespmem:s26+$0x280];
	_ =	sdelay $0x4  }
0xfb: {  	[tilespmem:s28+$0x280] =	vst v1  }
0xfc: {  	v1 =	vld [tilespmem:s26+$0x290];
	_ =	sdelay $0x4  }
0xfd: {  	[tilespmem:s28+$0x290] =	vst v1  }
0xfe: {  	v1 =	vld [tilespmem:s26+$0x2A0];
	_ =	sdelay $0x4  }
0xff: {  	[tilespmem:s28+$0x2A0] =	vst v1  }
0x100: {  	v1 =	vld [tilespmem:s26+$0x2B0];
	_ =	sdelay $0x4  }
0x101: {  	[tilespmem:s28+$0x2B0] =	vst v1  }
0x102: {  	v1 =	vld [tilespmem:s26+$0x300];
	_ =	sdelay $0x4  }
0x103: {  	[tilespmem:s28+$0x300] =	vst v1  }
0x104: {  	v1 =	vld [tilespmem:s26+$0x310];
	_ =	sdelay $0x4  }
0x105: {  	[tilespmem:s28+$0x310] =	vst v1  }
0x106: {  	v1 =	vld [tilespmem:s26+$0x320];
	_ =	sdelay $0x4  }
0x107: {  	[tilespmem:s28+$0x320] =	vst v1  }
0x108: {  	v1 =	vld [tilespmem:s26+$0x330];
	_ =	sdelay $0x4  }
0x109: {  	[tilespmem:s28+$0x330] =	vst v1  }
0x10a: {  	v1 =	vld [tilespmem:s26+$0x380];
	_ =	sdelay $0x4  }
0x10b: {  	[tilespmem:s28+$0x380] =	vst v1  }
0x10c: {  	v1 =	vld [tilespmem:s26+$0x390];
	_ =	sdelay $0x4  }
0x10d: {  	[tilespmem:s28+$0x390] =	vst v1  }
0x10e: {  	v1 =	vld [tilespmem:s26+$0x3A0];
	_ =	sdelay $0x4  }
0x10f: {  	[tilespmem:s28+$0x3A0] =	vst v1  }
0x110: {  	p0 =	sne.s32 s23, $0xF0;
	v1 =	vld [tilespmem:s26+$0x3B0]  }
.Ltmp0:
0x111: {  	_ = 	snop;
	(pc) =	sbr.rel @p0 .LBB2_3-.Ltmp0, $3  }
0x112: {  	_ =	sdelay $0x1  }
0x113: {  	s25 =	sadd.s32 $0x10, s25;
	s24 =	sadd.s32 $0x10, s24  }
0x114: {  	s23 =	sadd.s32 $0x10, s23;
	s26 =	sadd.s32 $0x800, s26;
	[tilespmem:s28+$0x3B0] =	vst v1;
	s28 =	sadd.s32 $0x800, s28  }
0x115: {  	s21 =	sadd.s32 $0x1, s21  }
0x116: {  	s22 =	sshll.u32 s22, $0x4;
	p0 =	sne.s32 s21, $0x64  }
.Ltmp1:
0x117: {  	s22 =	sadd.s32 s9, s22;
	(pc) =	sbr.rel @p0 .LBB2_2-.Ltmp1, $4  }
0x118: {  	[hbm4b:s22+s1] =	stream.linear.scatter [tilespmem:s19], [sflag:$0x2], $0x8000, $0x38;
	[tilespmem:$0x11500] =	vst v63  }
0x119: {  	_ =	swait.ge [sflag:s13], $0x8000  }
0x11a: {  	[sflag:s13] =	ssyncset.done $0x0  }
0x11b: {  	[sflag:s13] =	ssyncadd.s32 $0xFFFF8000  }
0x11c: {  	s20 =	sadd.s32 $0x1, s20  }
0x11d: {  	p0 =	sne.s32 s20, s11  }
.Ltmp2:
0x11e: {  	_ = 	snop;
	(pc) =	sbr.rel @p0 .LBB2_1-.Ltmp2, $1  }
0x11f: {  	_ =	sdelay $0x3  }
0x120: {  	_ =	sfence.sel $0x180000  }
0x121: {  	[bflag:$0x0] =	sbarrier.arrive $0xFFFF  }
0x122: {  	p0 =	sne.s32 s3, $0x0;
	_ =	strace $0x90000047  }
0x123: {  	s0 =	sadd.s32 @!p0 $0x100000, s0;
	[bflag:$0x2] =	sbarrier.arrive $0xFFFF  }
0x124: {  	[sflag:s0] =	ssyncadd.tile.s32 @!p0 $0x1;
	_ =	shalt  }
.Lfunc_end2:
_tile_overlayer_lowered:
.L_overlay_start_2:
0x125: {  	(tag) =	ssettag $0x2  }
0x126: {  	s0 =	rddreg [dreg:$0x0];
	s2 =	stileid.u32  }
0x127: {  	s1 =	rddreg [dreg:$0x1];
	p0 =	sne.s32 s2, $0x0  }
0x128: {  	s3 =	rddreg [dreg:$0x2];
	[bflag:$0x3] =	sbarrier.arrive $0xFFFF;
	s2 =	simm.s32 @!p0 $0x1C02  }
0x129: {  	[timem:s3], [sflag:s2] =	dma.local @!p0 [hbm:s0], s1  }
0x12a: {  	s0 =	simm.s32 @!p0 $0x2  }
0x12b: {  	_ =	swait.ge @!p0 [sflag:s0], s1  }
0x12c: {  	s1 =	ssub.s32 @!p0 $0x0, s1;
	[sflag:s0] =	ssyncset.done @!p0 $0x0  }
0x12d: {  	[sflag:s0] =	ssyncadd.s32 @!p0 s1  }
0x12e: {  	[bflag:$0x3] =	sbarrier.arrive $0xFFFF  }
0x12f: {  	_ =	shalt  }

// kernel: sparse-core-data-format-call.cloned.1.call-start
scs
called_computation_lowered:
.L_overlay_start_0:
0x0: {  	s2 =	sld [smem:$0x3FD9]  }
0x1: {  	s3 =	sld [smem:$0x3FFE];
	_ =	sdelay $0x1  }
0x2: {  	s1 =	srdreg.scid  }
0x3: {  	s0 =	sand.u32 $0x1, s1  }
0x4: {  	s18 =	sshll.u32 s0, $0xA;
	s2 =	sadd.s32 s3, s2  }
0x5: {  	s2 =	sadd.s32 s2, s18  }
0x6: {  	[smem:$0x3FC0] =	sst s2  }
0x7: {  	_ = 	snop  }
0x8: {  	s2 =	sld [smem:$0x3FD0];
	(tm) =	ssettm $0x1  }
0x9: {  	s19 =	sld [smem:$0x3FFB];
	_ =	sdelay $0x3  }
0xa: {  	_ =	strace s19  }
0xb: {  	s3 =	sld [smem:$0x3FFC];
	_ =	sdelay $0x3  }
0xc: {  	_ =	strace s3  }
0xd: {  	s3 =	sld [smem:$0x3FFD];
	_ =	sdelay $0x3  }
0xe: {  	_ =	strace s3  }
0xf: {  	_ =	strace $0x8FFFFFFF  }
0x10: {  	s20 =	sld [smem:$0x3FDB];
	_ =	sdelay $0x1  }
0x11: {  	s4 =	simm.s32 $_scs_section_size  }
0x12: {  	s5 =	simm.s32 $_size__tile_overlayer_lowered;
	s6 =	simm.s32 $_tile_overlayer_lowered  }
0x13: {  	s23 =	simm.s32 $0x1BFF;
	s22 =	sshll.u32 s6, $0x1;
	s3 =	sadd.s32 s4, s20  }
0x14: {  	s7 =	simm.s32 $0x0;
	s21 =	sshll.u32 s5, $0x1;
	s5 =	sadd.s32 s22, s3  }
0x15: {  	[timem:s7], [sflag:s23] =	dma.local [hbm:s5], s21  }
0x16: {  	_ =	swait.ge [sflag:s23], s21  }
0x17: {  	s4 =	ssub.s32 $0x0, s21;
	[sflag:s23] =	ssyncset.done $0x0  }
0x18: {  	[sflag:s23] =	ssyncadd.s32 s4;
	_ =	sdelay $0x1  }
0x19: {  	s24 =	simm.s32 $0x1B8B  }
0x1a: {  	_ =	swait.ge [sflag:s24], $0x1  }
0x1b: {  	[sflag:s24] =	ssyncset.done $0x0  }
0x1c: {  	s26 =	simm.s32 $0x1B8E;
	s25 =	sld [smem:$0x3FFE];
	[sflag:s24] =	ssyncadd.s32 $0xFFFFFFFF  }
0x1d: {  	s27 =	simm.s32 $execute0_lowered;
	[smem:$0x3FD2] =	sst s26  }
0x1e: {  	s5 =	sshll.u32 s27, $0x1;
	_ =	strace $0x80000049;
	[dreg:$0x1] =	wrdreg $0xFFFFFFFF  }
0x1f: {  	s28 =	simm.s32 $_size_execute0_lowered;
	s3 =	sadd.s32 s3, s5;
	[dreg:$0x0] =	wrdreg $0x0  }
0x20: {  	s5 =	sshll.u32 s28, $0x1;
	[dreg:$0x2] =	wrdreg s3  }
0x21: {  	[dreg:$0x3] =	wrdreg s5  }
0x22: {  	[dreg:$0x4] =	wrdreg $0xC0  }
0x23: {  	_ =	task [dreg:s7], $0x5FFFF  }
0x24: {  	[dreg:$0x1] =	wrdreg $0xFFFFFFFF  }
0x25: {  	[dreg:$0x0] =	wrdreg $0x60  }
0x26: {  	[dreg:$0x2] =	wrdreg s25  }
0x27: {  	[dreg:$0x3] =	wrdreg s2  }
0x28: {  	[dreg:$0x4] =	wrdreg $0x9  }
0x29: {  	_ =	task.clear_ibuf [dreg:s7], $0x5FFFF;
	_ =	strace $0x90000049  }
0x2a: {  	s29 =	simm.s32 $0x9;
	_ =	strace $0x8000004B  }
0x2b: {  	_ =	swait.ge [sflag:s29], $0x1  }
0x2c: {  	[sflag:s29] =	ssyncadd.s32 $0xFFFFFFFF  }
0x2d: {  	_ =	strace $0x9000004B  }
0x2e: {  	_ =	sfence  }
0x2f: {  	s30 =	sld [smem:$0x0];
	_ =	sdelay $0x2  }
0x30: {  	s31 =	sshll.u32 s1, $0xD;
	s1 =	sshrl.u32 s1, $0x2  }
0x31: {  	s3 =	sand.u32 $0x4000, s31;
	s1 =	sadd.s32 s1, s30  }
0x32: {  	s0 =	sor.u32 s3, s0;
	s1 =	sshll.u32 s1, $0x11  }
0x33: {  	s0 =	sor.u32 s1, s0  }
0x34: {  	s0 =	sadd.s32 $0x8F2B, s0  }
0x35: {  	[sflag:s0] =	ssyncadd.remote.s32 $0x1  }
0x36: {  	_ =	sfence.sel $0xFFFF  }
0x37: {  	[dreg:$0x0] =	wrdreg $0xFFFFFFFF;
	(pc) =	sbr.abs _section_cstart, $3  }
0x38: {  	[dreg:$0x1] =	wrdreg $0xFFFFFFFF  }
0x39: {  	_ =	task.clear_ibuf [dreg:s7], $0x2FFFF;
	_ =	strace $0x9FFFFFFF  }
0x3a: {  	(tm) =	ssettm $0x7FFFFFFF  }
0x3b: {  	_ =	shalt  }
tec
execute0_lowered:
.L_overlay_start_1:
0x0: {  	(tag) =	ssettag $0x1  }
0x1: {  	s0 =	srdreg.scid  }
0x2: {  	s1 =	sshll.u32 s0, $0x4  }
0x3: {  	s6 =	rddreg [dreg:$0x0];
	s0 =	stileid.u32;
	s1 =	sand.u32 $0x10, s1  }
0x4: {  	s3 =	rddreg [dreg:$0x1];
	s1 =	sor.u32 s0, s1  }
0x5: {  	s5 =	simm.s32 $0x1;
	s31 =	simm.s32 $0x2;
	s2 =	sshll.u32 s1, $0x7  }
0x6: {  	s15 =	simm.s32 $0x0;
	s8 =	simm.s32 $0x20000;
	s4 =	ssub.s32 $0x4000, s2  }
0x7: {  	s14 =	simm.s32 $0x0;
	s9 =	simm.s32 $0x0;
	s30 =	sand.u32 $0xF80, s4  }
0x8: {  	s10 =	simm.s32 $0x0;
	s11 =	simm.s32 $0x0;
	p0 =	sne.s32 s30, $0x0  }
.Ltmp0:
0x9: {  	s7 =	sshrl.u32 s4, $0xC;
	s5 =	simm.s32 @!p0 $0x0;
	(pc) =	sbr.rel .LBB1_1-.Ltmp0, $4  }
0xa: {  	s13 =	simm.s32 $0x0;
	s1 =	rddreg [dreg:$0x2];
	s5 =	sadd.s32 s5, s7  }
0xb: {  	_ =	strace $0x8000004A;
	s4 =	simm.s32 $0x1;
	s5 =	smul.u32 $0x32, s5  }
0xc: {  	s6 =	sadd.s32 $0xFD9800, s6;
	s12 =	smov.u32 s2;
	[sflag:s4] =	ssyncpa.u1 $0x0  }
0xd: {  	[sflag:s31] =	ssyncpa.u1 $0x0;
	p0 =	por $0x0, $0x0;
	s7 =	sor.u32 $0x1, s5  }
.LBB1_4:
0xe: {  	s20 =	sshra.s32 s20, $0x2;
	s28 =	sshll.u32 s10, $0x3;
	p1 =	sgt.s32 s9, $0x31  }
0xf: {  	s21 =	smov.u32 s9;
	s23 =	sshra.s32 s9, $0x1F;
	s24 =	smov.u32 s10  }
0x10: {  	v5 =	vld [tilespmem:s17+$0xFFFFFFD0];
	[tilespmem:s18+$0x2040 ss:$0x81] =	vst.msk $0xffff, v4;
	s25 =	sshra.s32 s10, $0x1F;
	s26 =	sand.u32 $0x78, s10;
	s19 =	sadd.s32 s20, s19  }
0x11: {  	v58 =	vld [tilespmem:s17+$0xFFFFFFE0];
	[tilespmem:s18+$0x2850 ss:$0x81] =	vst.msk $0xffff, v3;
	s22 =	sshrl.u32 s28, $0xE;
	s21 =	simm.s32 @!p1 $0x31;
	s23 =	sand.u32 s23, s9  }
0x12: {  	v59 =	vld [tilespmem:s17+$0xFFFFFFF0];
	[tilespmem:s18+$0x3060 ss:$0x81] =	vst.msk $0xffff, v2;
	p1 =	sgt.s32 s10, $0x3F80;
	s29 =	sand.u32 s25, s10;
	s20 =	sand.u32 $0x3C00, s28  }
0x13: {  	v60 =	vld [tilespmem:s17+$0x0];
	[tilespmem:s18+$0x0 ss:$0x81] =	vst.msk $0xffff, v0;
	s28 =	smul.u32 $0x30000, s9;
	s21 =	ssub.s32 s21, s23;
	s24 =	simm.s32 @!p1 $0x3F80  }
0x14: {  	v61 =	vld [tilespmem:s17+$0x10];
	s30 =	smulhi.u32 $0x2AAAAAB, s22;
	[tilespmem:s19+$0x3870 ss:$0x81] =	vst.msk $0xffff, v1;
	s20 =	sor.u32 s26, s20;
	s31 =	ssub.s32 $0x32, s21  }
0x15: {  	v62 =	vld [tilespmem:s17+$0x20];
	s23 =	ssub.s32 s24, s29;
	s21 =	sadd.s32 $0xFFFFFFCF, s21;
	s25 =	smul.u32 $0x60, s31;
	[tilespmem:s19+$0x810 ss:$0x81] =	vst.msk $0xffff, v5  }
0x16: {  	v63 =	vld [tilespmem:s17+$0xFFFFFFC0];
	s18 =	smul.u32 $0x60, s30;
	p1 =	sgt.s32 s21, $0x0;
	s27 =	sadd.s32 $0xFFFFC080, s23;
	[tilespmem:s19+$0x1020 ss:$0x81] =	vst.msk $0xffff, v58  }
0x17: {  	s17 =	ssub.s32 $0x4000, s23;
	[tilespmem:s19+$0x1830 ss:$0x81] =	vst.msk $0xffff, v59;
	s25 =	simm.s32 @p1 $0x0;
	p1 =	sgt.s32 s27, $0x7F  }
0x18: {  	s29 =	sand.u32 $0x7, s10;
	[tilespmem:s19+$0x2040 ss:$0x81] =	vst.msk $0xffff, v60;
	s18 =	ssub.s32 s22, s18;
	s17 =	simm.s32 @p1 $0x0  }
0x19: {  	s21 =	sadd.s32 s3, s28;
	[tilespmem:s19+$0x2850 ss:$0x81] =	vst.msk $0xffff, v61;
	s18 =	sshll.u32 s18, $0xB;
	s17 =	smul.u32 s17, s25  }
0x1a: {  	s20 =	sshrl.u32 s20, $0x3;
	s30 =	sshll.u32 s29, $0x12;
	[tilespmem:s19+$0x3060 ss:$0x81] =	vst.msk $0xffff, v62;
	s18 =	sadd.s32 s18, s21  }
0x1b: {  	[tilespmem:s19+$0x0 ss:$0x81] =	vst.msk $0xffff, v63;
	s31 =	sor.u32 $0x400, s30;
	s18 =	sadd.s32 s20, s18;
	s17 =	sand.u32 $0x3FFFFFE0, s17  }
0x1c: {  	[hbm4b:s18+s31] =	stream.strided.scatter [tilespmem:s16], [sflag:$0x2], s17, s8, s31, $0x20;
	[tilespmem:$0x10100] =	vst v63  }
.LBB1_5:
0x1d: {  	p1 =	slt.u32 s13, $0x2  }
0x1e: {  	s17 =	smov.u32 s15;
	p2 =	sgt.s32 @!p1 s15, $0x31;
	s16 =	sshra.s32 @!p1 s15, $0x1F  }
0x1f: {  	p3 =	sgt.s32 @!p1 s14, $0x3F80;
	s18 =	sshra.s32 @!p1 s14, $0x1F;
	p2 =	por !p2, p1  }
0x20: {  	s15 =	sand.u32 @!p1 s16, s15;
	p3 =	por !p3, p1;
	s16 =	smov.u32 s14  }
0x21: {  	s14 =	sand.u32 @!p1 s18, s14;
	s17 =	simm.s32 @p2 $0x31;
	s16 =	simm.s32 @p3 $0x3F80  }
0x22: {  	s18 =	smov.u32 s12;
	s15 =	ssub.s32 @!p1 s17, s15;
	s14 =	ssub.s32 @!p1 s16, s14  }
0x23: {  	s16 =	sadd.s32 @!p1 $0xFFFFFFCF, s15;
	s15 =	ssub.s32 @!p1 $0x32, s15;
	s17 =	sadd.s32 @!p1 $0xFFFFC080, s14  }
0x24: {  	p2 =	sgt.s32 @!p1 s16, $0x0;
	s15 =	smul.u32 @!p1 $0x60, s15;
	p3 =	sgt.s32 @!p1 s17, $0x7F  }
0x25: {  	s14 =	ssub.s32 @!p1 $0x4000, s14;
	p2 =	por !p2, p1;
	p3 =	por !p3, p1  }
0x26: {  	s16 =	sadd.s32 $0x1, s11;
	s15 =	simm.s32 @!p2 $0x0;
	s14 =	simm.s32 @!p3 $0x0  }
0x27: {  	p2 =	sgt.s32 s16, $0x31;
	s14 =	smul.u32 @!p1 s14, s15;
	s15 =	sadd.s32 $0x1000, s12  }
0x28: {  	s18 =	smov.u32 @p2 s15  }
0x29: {  	s16 =	simm.s32 @p2 $0x0;
	p2 =	sgt.s32 s18, $0x3FFF  }
0x2a: {  	s18 =	smov.u32 @p2 s2;
	p2 =	sne.s32 s13, s7  }
.Ltmp1:
0x2b: {  	p0 =	por !p0, !p0;
	s17 =	simm.s32 @!p1 $0x2;
	(pc) =	sbr.rel @!p2 .LBB1_6-.Ltmp1, $4  }
0x2c: {  	s15 =	smov.u32 s9;
	s9 =	smov.u32 s11;
	s14 =	sand.u32 @!p1 $0x3FFFFFE0, s14  }
0x2d: {  	s11 =	smov.u32 s16;
	_ =	swait.ge @!p1 [sflag:s17], s14;
	s19 =	ssub.s32 @!p1 $0x0, s14  }
0x2e: {  	s14 =	smov.u32 s10;
	s13 =	sadd.s32 $0x1, s13;
	[sflag:s17] =	ssyncset.done @!p1 $0x0  }
0x2f: {  	s10 =	smov.u32 s12;
	s12 =	smov.u32 s18;
	[sflag:s17] =	ssyncadd.s32 @!p1 s19  }
.LBB1_1:
0x30: {  	p1 =	sge.u32 s13, s5  }
0x31: {  	s16 =	sand.u32 @!p1 $0x1FFFFFF, s11  }
0x32: {  	s17 =	smulhi.u32 @!p1 $0x4924925, s16;
	_ =	sdelay $0x1  }
0x33: {  	s17 =	smul.u32 @!p1 $0x38, s17  }
0x34: {  	s18 =	sxor.u32 @!p1 $0xFFFFFFFF, s13;
	s19 =	smul.u32 @!p1 $0x380, s12  }
0x35: {  	s31 =	sadd.s32 $0xFFFFFFFF, s13;
	s18 =	sshll.u32 @!p1 s18, $0xE;
	s16 =	ssub.s32 @!p1 s16, s17  }
0x36: {  	s17 =	sand.u32 @!p1 $0x4000, s18;
	s18 =	sadd.s32 @!p1 s6, s19;
	s16 =	sshll.u32 @!p1 s16, $0x4  }
0x37: {  	s19 =	simm.s32 @!p1 $0x1C00;
	s16 =	sadd.s32 @!p1 s16, s18;
	s18 =	simm.s32 @!p1 $0x80  }
0x38: {  	[tilespmem:s17], [sflag:$0x1] =	stream.strided.gather @!p1 [hbm4b:s16+s18], $0x4000, s19, s18, $0x38;
	[tilespmem:$0x10100] =	vst v63  }
0x39: {  	p1 =	sge.u32 s31, s5  }
.Ltmp2:
0x3a: {  	_ = 	snop;
	(pc) =	sbr.rel @p1 .LBB1_5-.Ltmp2, $1  }
0x3b: {  	_ =	sdelay $0x3  }
0x3c: {  	s16 =	simm.s32 $0x1  }
0x3d: {  	_ =	swait.ge [sflag:s4], $0x4000;
	s16 =	simm.s32 @!p0 $0x0  }
0x3e: {  	[sflag:s4] =	ssyncset.done $0x0;
	s17 =	sshll.u32 s16, $0xE  }
0x3f: {  	[sflag:s4] =	ssyncadd.s32 $0xFFFFC000;
	s17 =	sor.u32 $0x40, s17  }
0x40: {  	s16 =	smul.u32 $0x10200, s16;
	v0 =	vld [tilespmem:s17+$0x30]  }
0x41: {  	v1 =	vld [tilespmem:s17+$0xFFFFFFD0]  }
0x42: {  	s16 =	sshrl.u32 s16, $0x2;
	v5 =	vld [tilespmem:s17+$0xFFFFFFE0]  }
0x43: {  	v6 =	vld [tilespmem:s17+$0xFFFFFFF0];
	s19 =	sor.u32 $0x8000, s16  }
0x44: {  	s31 =	sand.u32 $0x1, s13;
	v4 =	vld [tilespmem:s17+$0x0];
	s18 =	sadd.s32 $0x0, s19  }
0x45: {  	v3 =	vld [tilespmem:s17+$0x10];
	s16 =	smul.u32 $0x10200, s31;
	[tilespmem:s18+$0x3870 ss:$0x81] =	vst.msk $0xffff, v0  }
0x46: {  	v2 =	vld [tilespmem:s17+$0x20];
	[tilespmem:s18+$0x810 ss:$0x81] =	vst.msk $0xffff, v1  }
0x47: {  	s16 =	sshrl.u32 s16, $0x2;
	v0 =	vld [tilespmem:s17+$0xFFFFFFC0];
	[tilespmem:s18+$0x1020 ss:$0x81] =	vst.msk $0xffff, v5;
	s17 =	sadd.s32 $0x80, s17  }
0x48: {  	s20 =	simm.s32 $0x4;
	s21 =	simm.s32 $0x8;
	s16 =	sor.u32 $0x8000, s16;
	[tilespmem:s18+$0x1830 ss:$0x81] =	vst.msk $0xffff, v6;
	v1 =	vld [tilespmem:s17+$0x30]  }
.LBB1_3:
0x49: {  	p1 =	sne.s32 s21, $0x1FC;
	v5 =	vld [tilespmem:s17+$0xFFFFFFD0];
	[tilespmem:s18+$0x2040 ss:$0x81] =	vst.msk $0xffff, v4  }
0x4a: {  	v6 =	vld [tilespmem:s17+$0xFFFFFFE0];
	[tilespmem:s18+$0x2850 ss:$0x81] =	vst.msk $0xffff, v3  }
0x4b: {  	s22 =	sshra.s32 s20, $0x2;
	s20 =	smov.u32 s21;
	v7 =	vld [tilespmem:s17+$0xFFFFFFF0];
	[tilespmem:s18+$0x3060 ss:$0x81] =	vst.msk $0xffff, v2  }
.Ltmp3:
0x4c: {  	v4 =	vld [tilespmem:s17+$0x0];
	[tilespmem:s18+$0x0 ss:$0x81] =	vst.msk $0xffff, v0;
	s18 =	sadd.s32 s22, s19;
	(pc) =	sbr.rel @p1 .LBB1_3-.Ltmp3, $4  }
0x4d: {  	v3 =	vld [tilespmem:s17+$0x10];
	[tilespmem:s18+$0x3870 ss:$0x81] =	vst.msk $0xffff, v1  }
0x4e: {  	[tilespmem:s18+$0x810 ss:$0x81] =	vst.msk $0xffff, v5;
	v2 =	vld [tilespmem:s17+$0x20]  }
0x4f: {  	v0 =	vld [tilespmem:s17+$0xFFFFFFC0];
	[tilespmem:s18+$0x1020 ss:$0x81] =	vst.msk $0xffff, v6;
	s17 =	sadd.s32 $0x80, s17  }
0x50: {  	s21 =	sadd.s32 $0x4, s21;
	v1 =	vld [tilespmem:s17+$0x30];
	[tilespmem:s18+$0x1830 ss:$0x81] =	vst.msk $0xffff, v7  }
.Ltmp4:
0x51: {  	_ = 	snop;
	(pc) =	sbr.rel .LBB1_4-.Ltmp4, $1  }
0x52: {  	_ =	sdelay $0x3  }
.LBB1_6:
0x53: {  	_ =	sfence.sel $0x180000  }
0x54: {  	s2 =	simm.s32 $0x1;
	[bflag:$0x0] =	sbarrier.arrive $0xFFFF  }
0x55: {  	s31 =	simm.s32 $0x2;
	[sflag:s2] =	ssyncpa.u1 $0x1  }
0x56: {  	[sflag:s31] =	ssyncpa.u1 $0x1  }
0x57: {  	p0 =	sne.s32 s0, $0x0;
	_ =	strace $0x9000004A  }
0x58: {  	s0 =	sadd.s32 @!p0 $0x100000, s1;
	[bflag:$0x2] =	sbarrier.arrive $0xFFFF  }
0x59: {  	[sflag:s0] =	ssyncadd.tile.s32 @!p0 $0x1;
	_ =	shalt  }
.Lfunc_end1:
_tile_overlayer_lowered:
.L_overlay_start_2:
0x5a: {  	(tag) =	ssettag $0x2  }
0x5b: {  	s0 =	rddreg [dreg:$0x0];
	s2 =	stileid.u32  }
0x5c: {  	s1 =	rddreg [dreg:$0x1];
	p0 =	sne.s32 s2, $0x0  }
0x5d: {  	s3 =	rddreg [dreg:$0x2];
	[bflag:$0x3] =	sbarrier.arrive $0xFFFF;
	s2 =	simm.s32 @!p0 $0x1C01  }
0x5e: {  	[timem:s3], [sflag:s2] =	dma.local @!p0 [hbm:s0], s1  }
0x5f: {  	s0 =	simm.s32 @!p0 $0x1  }
0x60: {  	_ =	swait.ge @!p0 [sflag:s0], s1  }
0x61: {  	s1 =	ssub.s32 @!p0 $0x0, s1;
	[sflag:s0] =	ssyncset.done @!p0 $0x0  }
0x62: {  	[sflag:s0] =	ssyncadd.s32 @!p0 s1  }
0x63: {  	[bflag:$0x3] =	sbarrier.arrive $0xFFFF  }
0x64: {  	_ =	shalt  }

</sc_bundles>
